<compile_context>
chip_gen: v7x
topology: tpu7x:2x2x1
jax: 0.10.2.dev20260603
libtpu: 0.0.44.dev20260713+nightly
codegen_flags: <defaults>
</compile_context>

<pallas_src>
import functools
import math

import jax
import jax.numpy as jnp
from jax import lax
from jax.experimental import pallas as pl
from jax.experimental.pallas import tpu as pltpu
from jax.experimental.pallas import tpu_sc as plsc

_SCALE = math.sqrt(128.0)


def _scale_body(t_ref, o_ref):
    o_ref[...] = t_ref[...] * _SCALE


def _prescale(table):
    v, d = table.shape
    br = 10000
    return pl.pallas_call(
        _scale_body,
        out_shape=jax.ShapeDtypeStruct((v, d), table.dtype),
        grid=(v // br,),
        in_specs=[pl.BlockSpec((br, d), lambda i: (i, 0))],
        out_specs=pl.BlockSpec((br, d), lambda i: (i, 0)),
    )(table)


def _gather3d(table, idx, n, s):
    d = table.shape[1]
    nc, ns = 2, 16
    nw = nc * ns
    rpt = n // nw
    c = 8
    nchunk = rpt // c
    w = c * s

    mesh = plsc.VectorSubcoreMesh(core_axis_name="c", subcore_axis_name="s")

    @functools.partial(
        pl.kernel,
        out_type=jax.ShapeDtypeStruct((n, s, d), jnp.float32),
        mesh=mesh,
        scratch_types=[
            pltpu.VMEM((rpt * s,), jnp.int32),
            pltpu.VMEM((w, d), jnp.float32),
            pltpu.VMEM((w, d), jnp.float32),
            pltpu.SemaphoreType.DMA,
            pltpu.SemaphoreType.DMA,
            pltpu.SemaphoreType.DMA,
            pltpu.SemaphoreType.DMA,
        ],
    )
    def k(table_hbm, i_hbm, o_hbm, idx_v, buf0, buf1, g0, g1, o0, o1):
        wid = lax.axis_index("s") * nc + lax.axis_index("c")
        row0 = wid * rpt
        pltpu.sync_copy(i_hbm.at[pl.ds(row0 * s, rpt * s)], idx_v)

        bufs = [buf0, buf1]
        gsems = [g0, g1]
        osems = [o0, o1]
        nbuf = 2
        gh = [None] * nchunk
        for p in range(min(nbuf, nchunk)):
            gh[p] = pltpu.async_copy(
                table_hbm.at[idx_v.at[pl.ds(p * w, w)]], bufs[p], gsems[p])
        for ci in range(nchunk):
            slot = ci % nbuf
            gh[ci].wait()
            pltpu.async_copy(
                bufs[slot].reshape(c, s, d),
                o_hbm.at[pl.ds(row0 + ci * c, c)],
                osems[slot],
            ).wait()
            if ci + nbuf < nchunk:
                gh[ci + nbuf] = pltpu.async_copy(
                    table_hbm.at[idx_v.at[pl.ds((ci + nbuf) * w, w)]],
                    bufs[slot],
                    gsems[slot],
                )

    return k(table, idx)


def kernel(node_ids, table):
    n, s = node_ids.shape
    scaled = _prescale(table)
    idx = node_ids.reshape(n * s).astype(jnp.int32)
    return _gather3d(scaled, idx, n, s)

# --- scband reference (transcript-rebuilt; emitter-appended) ---
"""Pipeline reference for scband-graph-node-embedding-57492432224540 (READ-ONLY COPY).

The authoritative reference and input builder live on the scoring server;
editing this copy changes nothing except your own understanding.
"""

import jax, jax.numpy as jnp
import numpy as np
import math

VOCAB_SIZE = 100000
EMBED_DIM = 128
PADDING_IDX = 0

def setup_inputs(seed: int = 0) -> dict:
    key = jax.random.key(seed)
    k1, k2 = jax.random.split(key)
    node_ids = jax.random.randint(k1, (4096, 50), 0, VOCAB_SIZE)
    table = jax.random.normal(k2, (VOCAB_SIZE, EMBED_DIM), dtype=jnp.float32)
    # nn.Embedding with padding_idx zero-initializes the padding row
    table = table.at[PADDING_IDX].set(0.0)
    return {"node_ids": node_ids, "table": table}

def reference(node_ids, table):
    # GraphNodeEmbedding.forward: embedding lookup scaled by sqrt(embed_dim)
    emb = jnp.take(table, node_ids, axis=0)
    return emb * math.sqrt(EMBED_DIM)

if __name__ == "__main__":
    import jax
    _d = setup_inputs()
    print(jax.jit(kernel)(*tuple(_d.values())))

</pallas_src>

<mosaic_0001>
#map = affine_map<(d0, d1) -> (0, 0)>
#map1 = affine_map<(d0, d1) -> (0)>
#map2 = affine_map<(d0, d1) -> (0, 0, 0)>
module attributes {stable_mosaic.version = 14 : i64} {
  func.func @k(%arg0: i32, %arg1: i32, %arg2: memref<100000x128xf32, #tpu.memory_space<hbm>>, %arg3: memref<204800xi32, #tpu.memory_space<hbm>>, %arg4: memref<4096x50x128xf32, #tpu.memory_space<hbm>>, %arg5: memref<6400xi32, #tpu.memory_space<vmem>>, %arg6: memref<400x128xf32, #tpu.memory_space<vmem>>, %arg7: memref<400x128xf32, #tpu.memory_space<vmem>>, %arg8: memref<!tpu.dma_semaphore, #tpu.memory_space<semaphore_mem>>, %arg9: memref<!tpu.dma_semaphore, #tpu.memory_space<semaphore_mem>>, %arg10: memref<!tpu.dma_semaphore, #tpu.memory_space<semaphore_mem>>, %arg11: memref<!tpu.dma_semaphore, #tpu.memory_space<semaphore_mem>>) attributes {dimension_semantics = [#tpu.dimension_semantics<core_parallel>, #tpu.dimension_semantics<subcore_parallel>], iteration_bounds = array<i64: 2, 16>, scalar_prefetch = 0 : i64, scratch_operands = 7 : i64, tpu.core_type = #tpu.core_type<sc_vector_subcore>, window_params = [{transform_indices = #map}, {transform_indices = #map1}, {transform_indices = #map2}]} {
    %mul3A = arith.constant 2 : i32
    %mul3A_0 = arith.muli %arg1, %mul3A : i32
    %add3A = arith.addi %mul3A_0, %arg0 : i32
    %mul3A_1 = arith.constant 128 : i32
    %mul3A_2 = arith.muli %add3A, %mul3A_1 : i32
    %mul3A_3 = arith.constant 50 : i32
    %mul3A_4 = arith.muli %mul3A_2, %mul3A_3 : i32
    "tpu.region"() ({
      %run_scoped3A = tpu.sem_alloc : memref<!tpu.dma_semaphore, #tpu.memory_space<semaphore_mem>>
      %dma_start3A_451 = tpu.memref_slice %arg3[%mul3A_4] : memref<204800xi32, #tpu.memory_space<hbm>> -> memref<6400xi32, #tpu.memory_space<hbm>>
      %dma_start3A_452 = tpu.memref_slice %arg3[%mul3A_4] : memref<204800xi32, #tpu.memory_space<hbm>> -> memref<6400xi32, #tpu.memory_space<hbm>>
      tpu.enqueue_dma source(%dma_start3A_452 : memref<6400xi32, #tpu.memory_space<hbm>>) target(%arg5 : memref<6400xi32, #tpu.memory_space<vmem>>) target_semaphore(%run_scoped3A : memref<!tpu.dma_semaphore, #tpu.memory_space<semaphore_mem>>)
      %dma_wait3A_453 = tpu.memref_slice %arg3[%mul3A_4] : memref<204800xi32, #tpu.memory_space<hbm>> -> memref<6400xi32, #tpu.memory_space<hbm>>
      %dma_wait3A_454 = tpu.memref_slice %arg3[%mul3A_4] : memref<204800xi32, #tpu.memory_space<hbm>> -> memref<6400xi32, #tpu.memory_space<hbm>>
      tpu.wait_dma2 semaphore(%run_scoped3A : memref<!tpu.dma_semaphore, #tpu.memory_space<semaphore_mem>>) src(%dma_wait3A_454 : memref<6400xi32, #tpu.memory_space<hbm>>) dst(%arg5 : memref<6400xi32, #tpu.memory_space<vmem>>)
      tpu.yield
    }) : () -> ()
    %dma_start3A = arith.constant 0 : i32
    %dma_start3A_5 = tpu.memref_slice %arg5[%dma_start3A] : memref<6400xi32, #tpu.memory_space<vmem>> -> memref<400xi32, #tpu.memory_space<vmem>>
    %dma_start3A_6 = arith.constant 0 : i32
    %dma_start3A_7 = arith.constant 0 : i32
    %dma_start3A_8 = tpu.memref_slice %arg2[%dma_start3A_6, %dma_start3A_7] : memref<100000x128xf32, #tpu.memory_space<hbm>> -> memref<100000x128xf32, #tpu.memory_space<hbm>>
    tpu.enqueue_indirect_dma source(%dma_start3A_8 : memref<100000x128xf32, #tpu.memory_space<hbm>>) target(%arg6 : memref<400x128xf32, #tpu.memory_space<vmem>>) offsets(%dma_start3A_5 : memref<400xi32, #tpu.memory_space<vmem>>) semaphore(%arg8 : memref<!tpu.dma_semaphore, #tpu.memory_space<semaphore_mem>>)
    %dma_start3A_9 = arith.constant 400 : i32
    %dma_start3A_10 = tpu.memref_slice %arg5[%dma_start3A_9] : memref<6400xi32, #tpu.memory_space<vmem>> -> memref<400xi32, #tpu.memory_space<vmem>>
    %dma_start3A_11 = arith.constant 0 : i32
    %dma_start3A_12 = arith.constant 0 : i32
    %dma_start3A_13 = tpu.memref_slice %arg2[%dma_start3A_11, %dma_start3A_12] : memref<100000x128xf32, #tpu.memory_space<hbm>> -> memref<100000x128xf32, #tpu.memory_space<hbm>>
    tpu.enqueue_indirect_dma source(%dma_start3A_13 : memref<100000x128xf32, #tpu.memory_space<hbm>>) target(%arg7 : memref<400x128xf32, #tpu.memory_space<vmem>>) offsets(%dma_start3A_10 : memref<400xi32, #tpu.memory_space<vmem>>) semaphore(%arg9 : memref<!tpu.dma_semaphore, #tpu.memory_space<semaphore_mem>>)
    %dma_wait3A = arith.constant 0 : i32
    %dma_wait3A_14 = tpu.memref_slice %arg5[%dma_wait3A] : memref<6400xi32, #tpu.memory_space<vmem>> -> memref<400xi32, #tpu.memory_space<vmem>>
    %dma_wait3A_15 = arith.constant 0 : i32
    %dma_wait3A_16 = arith.constant 0 : i32
    %dma_wait3A_17 = tpu.memref_slice %arg2[%dma_wait3A_15, %dma_wait3A_16] : memref<100000x128xf32, #tpu.memory_space<hbm>> -> memref<100000x128xf32, #tpu.memory_space<hbm>>
    tpu.wait_indirect_dma semaphore(%arg8 : memref<!tpu.dma_semaphore, #tpu.memory_space<semaphore_mem>>) src(%dma_wait3A_17 : memref<100000x128xf32, #tpu.memory_space<hbm>>) dst(%arg6 : memref<400x128xf32, #tpu.memory_space<vmem>>)
    %add3A_18 = arith.constant 0 : i32
    %add3A_19 = arith.addi %mul3A_2, %add3A_18 : i32
    %dma_start3A_20 = tpu.memref_reshape %arg6 : memref<400x128xf32, #tpu.memory_space<vmem>> -> memref<8x50x128xf32, #tpu.memory_space<vmem>>
    %dma_start3A_21 = arith.constant 0 : i32
    %dma_start3A_22 = arith.constant 0 : i32
    %dma_start3A_23 = tpu.memref_slice %arg4[%add3A_19, %dma_start3A_21, %dma_start3A_22] : memref<4096x50x128xf32, #tpu.memory_space<hbm>> -> memref<8x50x128xf32, #tpu.memory_space<hbm>>
    %dma_start3A_24 = arith.constant 0 : i32
    %dma_start3A_25 = arith.constant 0 : i32
    %dma_start3A_26 = tpu.memref_slice %arg4[%add3A_19, %dma_start3A_24, %dma_start3A_25] : memref<4096x50x128xf32, #tpu.memory_space<hbm>> -> memref<8x50x128xf32, #tpu.memory_space<hbm>>
    %dma_start3A_27 = tpu.memref_reshape %arg6 : memref<400x128xf32, #tpu.memory_space<vmem>> -> memref<8x50x128xf32, #tpu.memory_space<vmem>>
    tpu.enqueue_dma source(%dma_start3A_27 : memref<8x50x128xf32, #tpu.memory_space<vmem>>) target(%dma_start3A_26 : memref<8x50x128xf32, #tpu.memory_space<hbm>>) target_semaphore(%arg10 : memref<!tpu.dma_semaphore, #tpu.memory_space<semaphore_mem>>)
    %dma_wait3A_28 = tpu.memref_reshape %arg6 : memref<400x128xf32, #tpu.memory_space<vmem>> -> memref<8x50x128xf32, #tpu.memory_space<vmem>>
    %dma_wait3A_29 = arith.constant 0 : i32
    %dma_wait3A_30 = arith.constant 0 : i32
    %dma_wait3A_31 = tpu.memref_slice %arg4[%add3A_19, %dma_wait3A_29, %dma_wait3A_30] : memref<4096x50x128xf32, #tpu.memory_space<hbm>> -> memref<8x50x128xf32, #tpu.memory_space<hbm>>
    %dma_wait3A_32 = arith.constant 0 : i32
    %dma_wait3A_33 = arith.constant 0 : i32
    %dma_wait3A_34 = tpu.memref_slice %arg4[%add3A_19, %dma_wait3A_32, %dma_wait3A_33] : memref<4096x50x128xf32, #tpu.memory_space<hbm>> -> memref<8x50x128xf32, #tpu.memory_space<hbm>>
    %dma_wait3A_35 = tpu.memref_reshape %arg6 : memref<400x128xf32, #tpu.memory_space<vmem>> -> memref<8x50x128xf32, #tpu.memory_space<vmem>>
    tpu.wait_dma2 semaphore(%arg10 : memref<!tpu.dma_semaphore, #tpu.memory_space<semaphore_mem>>) src(%dma_wait3A_35 : memref<8x50x128xf32, #tpu.memory_space<vmem>>) dst(%dma_wait3A_34 : memref<8x50x128xf32, #tpu.memory_space<hbm>>)
    %dma_start3A_36 = arith.constant 800 : i32
    %dma_start3A_37 = tpu.memref_slice %arg5[%dma_start3A_36] : memref<6400xi32, #tpu.memory_space<vmem>> -> memref<400xi32, #tpu.memory_space<vmem>>
    %dma_start3A_38 = arith.constant 0 : i32
    %dma_start3A_39 = arith.constant 0 : i32
    %dma_start3A_40 = tpu.memref_slice %arg2[%dma_start3A_38, %dma_start3A_39] : memref<100000x128xf32, #tpu.memory_space<hbm>> -> memref<100000x128xf32, #tpu.memory_space<hbm>>
    tpu.enqueue_indirect_dma source(%dma_start3A_40 : memref<100000x128xf32, #tpu.memory_space<hbm>>) target(%arg6 : memref<400x128xf32, #tpu.memory_space<vmem>>) offsets(%dma_start3A_37 : memref<400xi32, #tpu.memory_space<vmem>>) semaphore(%arg8 : memref<!tpu.dma_semaphore, #tpu.memory_space<semaphore_mem>>)
    %dma_wait3A_41 = arith.constant 400 : i32
    %dma_wait3A_42 = tpu.memref_slice %arg5[%dma_wait3A_41] : memref<6400xi32, #tpu.memory_space<vmem>> -> memref<400xi32, #tpu.memory_space<vmem>>
    %dma_wait3A_43 = arith.constant 0 : i32
    %dma_wait3A_44 = arith.constant 0 : i32
    %dma_wait3A_45 = tpu.memref_slice %arg2[%dma_wait3A_43, %dma_wait3A_44] : memref<100000x128xf32, #tpu.memory_space<hbm>> -> memref<100000x128xf32, #tpu.memory_space<hbm>>
    tpu.wait_indirect_dma semaphore(%arg9 : memref<!tpu.dma_semaphore, #tpu.memory_space<semaphore_mem>>) src(%dma_wait3A_45 : memref<100000x128xf32, #tpu.memory_space<hbm>>) dst(%arg7 : memref<400x128xf32, #tpu.memory_space<vmem>>)
    %add3A_46 = arith.constant 8 : i32
    %add3A_47 = arith.addi %mul3A_2, %add3A_46 : i32
    %dma_start3A_48 = tpu.memref_reshape %arg7 : memref<400x128xf32, #tpu.memory_space<vmem>> -> memref<8x50x128xf32, #tpu.memory_space<vmem>>
    %dma_start3A_49 = arith.constant 0 : i32
    %dma_start3A_50 = arith.constant 0 : i32
    %dma_start3A_51 = tpu.memref_slice %arg4[%add3A_47, %dma_start3A_49, %dma_start3A_50] : memref<4096x50x128xf32, #tpu.memory_space<hbm>> -> memref<8x50x128xf32, #tpu.memory_space<hbm>>
    %dma_start3A_52 = arith.constant 0 : i32
    %dma_start3A_53 = arith.constant 0 : i32
    %dma_start3A_54 = tpu.memref_slice %arg4[%add3A_47, %dma_start3A_52, %dma_start3A_53] : memref<4096x50x128xf32, #tpu.memory_space<hbm>> -> memref<8x50x128xf32, #tpu.memory_space<hbm>>
    %dma_start3A_55 = tpu.memref_reshape %arg7 : memref<400x128xf32, #tpu.memory_space<vmem>> -> memref<8x50x128xf32, #tpu.memory_space<vmem>>
    tpu.enqueue_dma source(%dma_start3A_55 : memref<8x50x128xf32, #tpu.memory_space<vmem>>) target(%dma_start3A_54 : memref<8x50x128xf32, #tpu.memory_space<hbm>>) target_semaphore(%arg11 : memref<!tpu.dma_semaphore, #tpu.memory_space<semaphore_mem>>)
    %dma_wait3A_56 = tpu.memref_reshape %arg7 : memref<400x128xf32, #tpu.memory_space<vmem>> -> memref<8x50x128xf32, #tpu.memory_space<vmem>>
    %dma_wait3A_57 = arith.constant 0 : i32
    %dma_wait3A_58 = arith.constant 0 : i32
    %dma_wait3A_59 = tpu.memref_slice %arg4[%add3A_47, %dma_wait3A_57, %dma_wait3A_58] : memref<4096x50x128xf32, #tpu.memory_space<hbm>> -> memref<8x50x128xf32, #tpu.memory_space<hbm>>
    %dma_wait3A_60 = arith.constant 0 : i32
    %dma_wait3A_61 = arith.constant 0 : i32
    %dma_wait3A_62 = tpu.memref_slice %arg4[%add3A_47, %dma_wait3A_60, %dma_wait3A_61] : memref<4096x50x128xf32, #tpu.memory_space<hbm>> -> memref<8x50x128xf32, #tpu.memory_space<hbm>>
    %dma_wait3A_63 = tpu.memref_reshape %arg7 : memref<400x128xf32, #tpu.memory_space<vmem>> -> memref<8x50x128xf32, #tpu.memory_space<vmem>>
    tpu.wait_dma2 semaphore(%arg11 : memref<!tpu.dma_semaphore, #tpu.memory_space<semaphore_mem>>) src(%dma_wait3A_63 : memref<8x50x128xf32, #tpu.memory_space<vmem>>) dst(%dma_wait3A_62 : memref<8x50x128xf32, #tpu.memory_space<hbm>>)
    %dma_start3A_64 = arith.constant 1200 : i32
    %dma_start3A_65 = tpu.memref_slice %arg5[%dma_start3A_64] : memref<6400xi32, #tpu.memory_space<vmem>> -> memref<400xi32, #tpu.memory_space<vmem>>
    %dma_start3A_66 = arith.constant 0 : i32
    %dma_start3A_67 = arith.constant 0 : i32
    %dma_start3A_68 = tpu.memref_slice %arg2[%dma_start3A_66, %dma_start3A_67] : memref<100000x128xf32, #tpu.memory_space<hbm>> -> memref<100000x128xf32, #tpu.memory_space<hbm>>
    tpu.enqueue_indirect_dma source(%dma_start3A_68 : memref<100000x128xf32, #tpu.memory_space<hbm>>) target(%arg7 : memref<400x128xf32, #tpu.memory_space<vmem>>) offsets(%dma_start3A_65 : memref<400xi32, #tpu.memory_space<vmem>>) semaphore(%arg9 : memref<!tpu.dma_semaphore, #tpu.memory_space<semaphore_mem>>)
    %dma_wait3A_69 = arith.constant 800 : i32
    %dma_wait3A_70 = tpu.memref_slice %arg5[%dma_wait3A_69] : memref<6400xi32, #tpu.memory_space<vmem>> -> memref<400xi32, #tpu.memory_space<vmem>>
    %dma_wait3A_71 = arith.constant 0 : i32
    %dma_wait3A_72 = arith.constant 0 : i32
    %dma_wait3A_73 = tpu.memref_slice %arg2[%dma_wait3A_71, %dma_wait3A_72] : memref<100000x128xf32, #tpu.memory_space<hbm>> -> memref<100000x128xf32, #tpu.memory_space<hbm>>
    tpu.wait_indirect_dma semaphore(%arg8 : memref<!tpu.dma_semaphore, #tpu.memory_space<semaphore_mem>>) src(%dma_wait3A_73 : memref<100000x128xf32, #tpu.memory_space<hbm>>) dst(%arg6 : memref<400x128xf32, #tpu.memory_space<vmem>>)
    %add3A_74 = arith.constant 16 : i32
    %add3A_75 = arith.addi %mul3A_2, %add3A_74 : i32
    %dma_start3A_76 = tpu.memref_reshape %arg6 : memref<400x128xf32, #tpu.memory_space<vmem>> -> memref<8x50x128xf32, #tpu.memory_space<vmem>>
    %dma_start3A_77 = arith.constant 0 : i32
    %dma_start3A_78 = arith.constant 0 : i32
    %dma_start3A_79 = tpu.memref_slice %arg4[%add3A_75, %dma_start3A_77, %dma_start3A_78] : memref<4096x50x128xf32, #tpu.memory_space<hbm>> -> memref<8x50x128xf32, #tpu.memory_space<hbm>>
    %dma_start3A_80 = arith.constant 0 : i32
    %dma_start3A_81 = arith.constant 0 : i32
    %dma_start3A_82 = tpu.memref_slice %arg4[%add3A_75, %dma_start3A_80, %dma_start3A_81] : memref<4096x50x128xf32, #tpu.memory_space<hbm>> -> memref<8x50x128xf32, #tpu.memory_space<hbm>>
    %dma_start3A_83 = tpu.memref_reshape %arg6 : memref<400x128xf32, #tpu.memory_space<vmem>> -> memref<8x50x128xf32, #tpu.memory_space<vmem>>
    tpu.enqueue_dma source(%dma_start3A_83 : memref<8x50x128xf32, #tpu.memory_space<vmem>>) target(%dma_start3A_82 : memref<8x50x128xf32, #tpu.memory_space<hbm>>) target_semaphore(%arg10 : memref<!tpu.dma_semaphore, #tpu.memory_space<semaphore_mem>>)
    %dma_wait3A_84 = tpu.memref_reshape %arg6 : memref<400x128xf32, #tpu.memory_space<vmem>> -> memref<8x50x128xf32, #tpu.memory_space<vmem>>
    %dma_wait3A_85 = arith.constant 0 : i32
    %dma_wait3A_86 = arith.constant 0 : i32
    %dma_wait3A_87 = tpu.memref_slice %arg4[%add3A_75, %dma_wait3A_85, %dma_wait3A_86] : memref<4096x50x128xf32, #tpu.memory_space<hbm>> -> memref<8x50x128xf32, #tpu.memory_space<hbm>>
    %dma_wait3A_88 = arith.constant 0 : i32
    %dma_wait3A_89 = arith.constant 0 : i32
    %dma_wait3A_90 = tpu.memref_slice %arg4[%add3A_75, %dma_wait3A_88, %dma_wait3A_89] : memref<4096x50x128xf32, #tpu.memory_space<hbm>> -> memref<8x50x128xf32, #tpu.memory_space<hbm>>
    %dma_wait3A_91 = tpu.memref_reshape %arg6 : memref<400x128xf32, #tpu.memory_space<vmem>> -> memref<8x50x128xf32, #tpu.memory_space<vmem>>
    tpu.wait_dma2 semaphore(%arg10 : memref<!tpu.dma_semaphore, #tpu.memory_space<semaphore_mem>>) src(%dma_wait3A_91 : memref<8x50x128xf32, #tpu.memory_space<vmem>>) dst(%dma_wait3A_90 : memref<8x50x128xf32, #tpu.memory_space<hbm>>)
    %dma_start3A_92 = arith.constant 1600 : i32
    %dma_start3A_93 = tpu.memref_slice %arg5[%dma_start3A_92] : memref<6400xi32, #tpu.memory_space<vmem>> -> memref<400xi32, #tpu.memory_space<vmem>>
    %dma_start3A_94 = arith.constant 0 : i32
    %dma_start3A_95 = arith.constant 0 : i32
    %dma_start3A_96 = tpu.memref_slice %arg2[%dma_start3A_94, %dma_start3A_95] : memref<100000x128xf32, #tpu.memory_space<hbm>> -> memref<100000x128xf32, #tpu.memory_space<hbm>>
    tpu.enqueue_indirect_dma source(%dma_start3A_96 : memref<100000x128xf32, #tpu.memory_space<hbm>>) target(%arg6 : memref<400x128xf32, #tpu.memory_space<vmem>>) offsets(%dma_start3A_93 : memref<400xi32, #tpu.memory_space<vmem>>) semaphore(%arg8 : memref<!tpu.dma_semaphore, #tpu.memory_space<semaphore_mem>>)
    %dma_wait3A_97 = arith.constant 1200 : i32
    %dma_wait3A_98 = tpu.memref_slice %arg5[%dma_wait3A_97] : memref<6400xi32, #tpu.memory_space<vmem>> -> memref<400xi32, #tpu.memory_space<vmem>>
    %dma_wait3A_99 = arith.constant 0 : i32
    %dma_wait3A_100 = arith.constant 0 : i32
    %dma_wait3A_101 = tpu.memref_slice %arg2[%dma_wait3A_99, %dma_wait3A_100] : memref<100000x128xf32, #tpu.memory_space<hbm>> -> memref<100000x128xf32, #tpu.memory_space<hbm>>
    tpu.wait_indirect_dma semaphore(%arg9 : memref<!tpu.dma_semaphore, #tpu.memory_space<semaphore_mem>>) src(%dma_wait3A_101 : memref<100000x128xf32, #tpu.memory_space<hbm>>) dst(%arg7 : memref<400x128xf32, #tpu.memory_space<vmem>>)
    %add3A_102 = arith.constant 24 : i32
    %add3A_103 = arith.addi %mul3A_2, %add3A_102 : i32
    %dma_start3A_104 = tpu.memref_reshape %arg7 : memref<400x128xf32, #tpu.memory_space<vmem>> -> memref<8x50x128xf32, #tpu.memory_space<vmem>>
    %dma_start3A_105 = arith.constant 0 : i32
    %dma_start3A_106 = arith.constant 0 : i32
    %dma_start3A_107 = tpu.memref_slice %arg4[%add3A_103, %dma_start3A_105, %dma_start3A_106] : memref<4096x50x128xf32, #tpu.memory_space<hbm>> -> memref<8x50x128xf32, #tpu.memory_space<hbm>>
    %dma_start3A_108 = arith.constant 0 : i32
    %dma_start3A_109 = arith.constant 0 : i32
    %dma_start3A_110 = tpu.memref_slice %arg4[%add3A_103, %dma_start3A_108, %dma_start3A_109] : memref<4096x50x128xf32, #tpu.memory_space<hbm>> -> memref<8x50x128xf32, #tpu.memory_space<hbm>>
    %dma_start3A_111 = tpu.memref_reshape %arg7 : memref<400x128xf32, #tpu.memory_space<vmem>> -> memref<8x50x128xf32, #tpu.memory_space<vmem>>
    tpu.enqueue_dma source(%dma_start3A_111 : memref<8x50x128xf32, #tpu.memory_space<vmem>>) target(%dma_start3A_110 : memref<8x50x128xf32, #tpu.memory_space<hbm>>) target_semaphore(%arg11 : memref<!tpu.dma_semaphore, #tpu.memory_space<semaphore_mem>>)
    %dma_wait3A_112 = tpu.memref_reshape %arg7 : memref<400x128xf32, #tpu.memory_space<vmem>> -> memref<8x50x128xf32, #tpu.memory_space<vmem>>
    %dma_wait3A_113 = arith.constant 0 : i32
    %dma_wait3A_114 = arith.constant 0 : i32
    %dma_wait3A_115 = tpu.memref_slice %arg4[%add3A_103, %dma_wait3A_113, %dma_wait3A_114] : memref<4096x50x128xf32, #tpu.memory_space<hbm>> -> memref<8x50x128xf32, #tpu.memory_space<hbm>>
    %dma_wait3A_116 = arith.constant 0 : i32
    %dma_wait3A_117 = arith.constant 0 : i32
    %dma_wait3A_118 = tpu.memref_slice %arg4[%add3A_103, %dma_wait3A_116, %dma_wait3A_117] : memref<4096x50x128xf32, #tpu.memory_space<hbm>> -> memref<8x50x128xf32, #tpu.memory_space<hbm>>
    %dma_wait3A_119 = tpu.memref_reshape %arg7 : memref<400x128xf32, #tpu.memory_space<vmem>> -> memref<8x50x128xf32, #tpu.memory_space<vmem>>
    tpu.wait_dma2 semaphore(%arg11 : memref<!tpu.dma_semaphore, #tpu.memory_space<semaphore_mem>>) src(%dma_wait3A_119 : memref<8x50x128xf32, #tpu.memory_space<vmem>>) dst(%dma_wait3A_118 : memref<8x50x128xf32, #tpu.memory_space<hbm>>)
    %dma_start3A_120 = arith.constant 2000 : i32
    %dma_start3A_121 = tpu.memref_slice %arg5[%dma_start3A_120] : memref<6400xi32, #tpu.memory_space<vmem>> -> memref<400xi32, #tpu.memory_space<vmem>>
    %dma_start3A_122 = arith.constant 0 : i32
    %dma_start3A_123 = arith.constant 0 : i32
    %dma_start3A_124 = tpu.memref_slice %arg2[%dma_start3A_122, %dma_start3A_123] : memref<100000x128xf32, #tpu.memory_space<hbm>> -> memref<100000x128xf32, #tpu.memory_space<hbm>>
    tpu.enqueue_indirect_dma source(%dma_start3A_124 : memref<100000x128xf32, #tpu.memory_space<hbm>>) target(%arg7 : memref<400x128xf32, #tpu.memory_space<vmem>>) offsets(%dma_start3A_121 : memref<400xi32, #tpu.memory_space<vmem>>) semaphore(%arg9 : memref<!tpu.dma_semaphore, #tpu.memory_space<semaphore_mem>>)
    %dma_wait3A_125 = arith.constant 1600 : i32
    %dma_wait3A_126 = tpu.memref_slice %arg5[%dma_wait3A_125] : memref<6400xi32, #tpu.memory_space<vmem>> -> memref<400xi32, #tpu.memory_space<vmem>>
    %dma_wait3A_127 = arith.constant 0 : i32
    %dma_wait3A_128 = arith.constant 0 : i32
    %dma_wait3A_129 = tpu.memref_slice %arg2[%dma_wait3A_127, %dma_wait3A_128] : memref<100000x128xf32, #tpu.memory_space<hbm>> -> memref<100000x128xf32, #tpu.memory_space<hbm>>
    tpu.wait_indirect_dma semaphore(%arg8 : memref<!tpu.dma_semaphore, #tpu.memory_space<semaphore_mem>>) src(%dma_wait3A_129 : memref<100000x128xf32, #tpu.memory_space<hbm>>) dst(%arg6 : memref<400x128xf32, #tpu.memory_space<vmem>>)
    %add3A_130 = arith.constant 32 : i32
    %add3A_131 = arith.addi %mul3A_2, %add3A_130 : i32
    %dma_start3A_132 = tpu.memref_reshape %arg6 : memref<400x128xf32, #tpu.memory_space<vmem>> -> memref<8x50x128xf32, #tpu.memory_space<vmem>>
    %dma_start3A_133 = arith.constant 0 : i32
    %dma_start3A_134 = arith.constant 0 : i32
    %dma_start3A_135 = tpu.memref_slice %arg4[%add3A_131, %dma_start3A_133, %dma_start3A_134] : memref<4096x50x128xf32, #tpu.memory_space<hbm>> -> memref<8x50x128xf32, #tpu.memory_space<hbm>>
    %dma_start3A_136 = arith.constant 0 : i32
    %dma_start3A_137 = arith.constant 0 : i32
    %dma_start3A_138 = tpu.memref_slice %arg4[%add3A_131, %dma_start3A_136, %dma_start3A_137] : memref<4096x50x128xf32, #tpu.memory_space<hbm>> -> memref<8x50x128xf32, #tpu.memory_space<hbm>>
    %dma_start3A_139 = tpu.memref_reshape %arg6 : memref<400x128xf32, #tpu.memory_space<vmem>> -> memref<8x50x128xf32, #tpu.memory_space<vmem>>
    tpu.enqueue_dma source(%dma_start3A_139 : memref<8x50x128xf32, #tpu.memory_space<vmem>>) target(%dma_start3A_138 : memref<8x50x128xf32, #tpu.memory_space<hbm>>) target_semaphore(%arg10 : memref<!tpu.dma_semaphore, #tpu.memory_space<semaphore_mem>>)
    %dma_wait3A_140 = tpu.memref_reshape %arg6 : memref<400x128xf32, #tpu.memory_space<vmem>> -> memref<8x50x128xf32, #tpu.memory_space<vmem>>
    %dma_wait3A_141 = arith.constant 0 : i32
    %dma_wait3A_142 = arith.constant 0 : i32
    %dma_wait3A_143 = tpu.memref_slice %arg4[%add3A_131, %dma_wait3A_141, %dma_wait3A_142] : memref<4096x50x128xf32, #tpu.memory_space<hbm>> -> memref<8x50x128xf32, #tpu.memory_space<hbm>>
    %dma_wait3A_144 = arith.constant 0 : i32
    %dma_wait3A_145 = arith.constant 0 : i32
    %dma_wait3A_146 = tpu.memref_slice %arg4[%add3A_131, %dma_wait3A_144, %dma_wait3A_145] : memref<4096x50x128xf32, #tpu.memory_space<hbm>> -> memref<8x50x128xf32, #tpu.memory_space<hbm>>
    %dma_wait3A_147 = tpu.memref_reshape %arg6 : memref<400x128xf32, #tpu.memory_space<vmem>> -> memref<8x50x128xf32, #tpu.memory_space<vmem>>
    tpu.wait_dma2 semaphore(%arg10 : memref<!tpu.dma_semaphore, #tpu.memory_space<semaphore_mem>>) src(%dma_wait3A_147 : memref<8x50x128xf32, #tpu.memory_space<vmem>>) dst(%dma_wait3A_146 : memref<8x50x128xf32, #tpu.memory_space<hbm>>)
    %dma_start3A_148 = arith.constant 2400 : i32
    %dma_start3A_149 = tpu.memref_slice %arg5[%dma_start3A_148] : memref<6400xi32, #tpu.memory_space<vmem>> -> memref<400xi32, #tpu.memory_space<vmem>>
    %dma_start3A_150 = arith.constant 0 : i32
    %dma_start3A_151 = arith.constant 0 : i32
    %dma_start3A_152 = tpu.memref_slice %arg2[%dma_start3A_150, %dma_start3A_151] : memref<100000x128xf32, #tpu.memory_space<hbm>> -> memref<100000x128xf32, #tpu.memory_space<hbm>>
    tpu.enqueue_indirect_dma source(%dma_start3A_152 : memref<100000x128xf32, #tpu.memory_space<hbm>>) target(%arg6 : memref<400x128xf32, #tpu.memory_space<vmem>>) offsets(%dma_start3A_149 : memref<400xi32, #tpu.memory_space<vmem>>) semaphore(%arg8 : memref<!tpu.dma_semaphore, #tpu.memory_space<semaphore_mem>>)
    %dma_wait3A_153 = arith.constant 2000 : i32
    %dma_wait3A_154 = tpu.memref_slice %arg5[%dma_wait3A_153] : memref<6400xi32, #tpu.memory_space<vmem>> -> memref<400xi32, #tpu.memory_space<vmem>>
    %dma_wait3A_155 = arith.constant 0 : i32
    %dma_wait3A_156 = arith.constant 0 : i32
    %dma_wait3A_157 = tpu.memref_slice %arg2[%dma_wait3A_155, %dma_wait3A_156] : memref<100000x128xf32, #tpu.memory_space<hbm>> -> memref<100000x128xf32, #tpu.memory_space<hbm>>
    tpu.wait_indirect_dma semaphore(%arg9 : memref<!tpu.dma_semaphore, #tpu.memory_space<semaphore_mem>>) src(%dma_wait3A_157 : memref<100000x128xf32, #tpu.memory_space<hbm>>) dst(%arg7 : memref<400x128xf32, #tpu.memory_space<vmem>>)
    %add3A_158 = arith.constant 40 : i32
    %add3A_159 = arith.addi %mul3A_2, %add3A_158 : i32
    %dma_start3A_160 = tpu.memref_reshape %arg7 : memref<400x128xf32, #tpu.memory_space<vmem>> -> memref<8x50x128xf32, #tpu.memory_space<vmem>>
    %dma_start3A_161 = arith.constant 0 : i32
    %dma_start3A_162 = arith.constant 0 : i32
    %dma_start3A_163 = tpu.memref_slice %arg4[%add3A_159, %dma_start3A_161, %dma_start3A_162] : memref<4096x50x128xf32, #tpu.memory_space<hbm>> -> memref<8x50x128xf32, #tpu.memory_space<hbm>>
    %dma_start3A_164 = arith.constant 0 : i32
    %dma_start3A_165 = arith.constant 0 : i32
    %dma_start3A_166 = tpu.memref_slice %arg4[%add3A_159, %dma_start3A_164, %dma_start3A_165] : memref<4096x50x128xf32, #tpu.memory_space<hbm>> -> memref<8x50x128xf32, #tpu.memory_space<hbm>>
    %dma_start3A_167 = tpu.memref_reshape %arg7 : memref<400x128xf32, #tpu.memory_space<vmem>> -> memref<8x50x128xf32, #tpu.memory_space<vmem>>
    tpu.enqueue_dma source(%dma_start3A_167 : memref<8x50x128xf32, #tpu.memory_space<vmem>>) target(%dma_start3A_166 : memref<8x50x128xf32, #tpu.memory_space<hbm>>) target_semaphore(%arg11 : memref<!tpu.dma_semaphore, #tpu.memory_space<semaphore_mem>>)
    %dma_wait3A_168 = tpu.memref_reshape %arg7 : memref<400x128xf32, #tpu.memory_space<vmem>> -> memref<8x50x128xf32, #tpu.memory_space<vmem>>
    %dma_wait3A_169 = arith.constant 0 : i32
    %dma_wait3A_170 = arith.constant 0 : i32
    %dma_wait3A_171 = tpu.memref_slice %arg4[%add3A_159, %dma_wait3A_169, %dma_wait3A_170] : memref<4096x50x128xf32, #tpu.memory_space<hbm>> -> memref<8x50x128xf32, #tpu.memory_space<hbm>>
    %dma_wait3A_172 = arith.constant 0 : i32
    %dma_wait3A_173 = arith.constant 0 : i32
    %dma_wait3A_174 = tpu.memref_slice %arg4[%add3A_159, %dma_wait3A_172, %dma_wait3A_173] : memref<4096x50x128xf32, #tpu.memory_space<hbm>> -> memref<8x50x128xf32, #tpu.memory_space<hbm>>
    %dma_wait3A_175 = tpu.memref_reshape %arg7 : memref<400x128xf32, #tpu.memory_space<vmem>> -> memref<8x50x128xf32, #tpu.memory_space<vmem>>
    tpu.wait_dma2 semaphore(%arg11 : memref<!tpu.dma_semaphore, #tpu.memory_space<semaphore_mem>>) src(%dma_wait3A_175 : memref<8x50x128xf32, #tpu.memory_space<vmem>>) dst(%dma_wait3A_174 : memref<8x50x128xf32, #tpu.memory_space<hbm>>)
    %dma_start3A_176 = arith.constant 2800 : i32
    %dma_start3A_177 = tpu.memref_slice %arg5[%dma_start3A_176] : memref<6400xi32, #tpu.memory_space<vmem>> -> memref<400xi32, #tpu.memory_space<vmem>>
    %dma_start3A_178 = arith.constant 0 : i32
    %dma_start3A_179 = arith.constant 0 : i32
    %dma_start3A_180 = tpu.memref_slice %arg2[%dma_start3A_178, %dma_start3A_179] : memref<100000x128xf32, #tpu.memory_space<hbm>> -> memref<100000x128xf32, #tpu.memory_space<hbm>>
    tpu.enqueue_indirect_dma source(%dma_start3A_180 : memref<100000x128xf32, #tpu.memory_space<hbm>>) target(%arg7 : memref<400x128xf32, #tpu.memory_space<vmem>>) offsets(%dma_start3A_177 : memref<400xi32, #tpu.memory_space<vmem>>) semaphore(%arg9 : memref<!tpu.dma_semaphore, #tpu.memory_space<semaphore_mem>>)
    %dma_wait3A_181 = arith.constant 2400 : i32
    %dma_wait3A_182 = tpu.memref_slice %arg5[%dma_wait3A_181] : memref<6400xi32, #tpu.memory_space<vmem>> -> memref<400xi32, #tpu.memory_space<vmem>>
    %dma_wait3A_183 = arith.constant 0 : i32
    %dma_wait3A_184 = arith.constant 0 : i32
    %dma_wait3A_185 = tpu.memref_slice %arg2[%dma_wait3A_183, %dma_wait3A_184] : memref<100000x128xf32, #tpu.memory_space<hbm>> -> memref<100000x128xf32, #tpu.memory_space<hbm>>
    tpu.wait_indirect_dma semaphore(%arg8 : memref<!tpu.dma_semaphore, #tpu.memory_space<semaphore_mem>>) src(%dma_wait3A_185 : memref<100000x128xf32, #tpu.memory_space<hbm>>) dst(%arg6 : memref<400x128xf32, #tpu.memory_space<vmem>>)
    %add3A_186 = arith.constant 48 : i32
    %add3A_187 = arith.addi %mul3A_2, %add3A_186 : i32
    %dma_start3A_188 = tpu.memref_reshape %arg6 : memref<400x128xf32, #tpu.memory_space<vmem>> -> memref<8x50x128xf32, #tpu.memory_space<vmem>>
    %dma_start3A_189 = arith.constant 0 : i32
    %dma_start3A_190 = arith.constant 0 : i32
    %dma_start3A_191 = tpu.memref_slice %arg4[%add3A_187, %dma_start3A_189, %dma_start3A_190] : memref<4096x50x128xf32, #tpu.memory_space<hbm>> -> memref<8x50x128xf32, #tpu.memory_space<hbm>>
    %dma_start3A_192 = arith.constant 0 : i32
    %dma_start3A_193 = arith.constant 0 : i32
    %dma_start3A_194 = tpu.memref_slice %arg4[%add3A_187, %dma_start3A_192, %dma_start3A_193] : memref<4096x50x128xf32, #tpu.memory_space<hbm>> -> memref<8x50x128xf32, #tpu.memory_space<hbm>>
    %dma_start3A_195 = tpu.memref_reshape %arg6 : memref<400x128xf32, #tpu.memory_space<vmem>> -> memref<8x50x128xf32, #tpu.memory_space<vmem>>
    tpu.enqueue_dma source(%dma_start3A_195 : memref<8x50x128xf32, #tpu.memory_space<vmem>>) target(%dma_start3A_194 : memref<8x50x128xf32, #tpu.memory_space<hbm>>) target_semaphore(%arg10 : memref<!tpu.dma_semaphore, #tpu.memory_space<semaphore_mem>>)
    %dma_wait3A_196 = tpu.memref_reshape %arg6 : memref<400x128xf32, #tpu.memory_space<vmem>> -> memref<8x50x128xf32, #tpu.memory_space<vmem>>
    %dma_wait3A_197 = arith.constant 0 : i32
    %dma_wait3A_198 = arith.constant 0 : i32
    %dma_wait3A_199 = tpu.memref_slice %arg4[%add3A_187, %dma_wait3A_197, %dma_wait3A_198] : memref<4096x50x128xf32, #tpu.memory_space<hbm>> -> memref<8x50x128xf32, #tpu.memory_space<hbm>>
    %dma_wait3A_200 = arith.constant 0 : i32
    %dma_wait3A_201 = arith.constant 0 : i32
    %dma_wait3A_202 = tpu.memref_slice %arg4[%add3A_187, %dma_wait3A_200, %dma_wait3A_201] : memref<4096x50x128xf32, #tpu.memory_space<hbm>> -> memref<8x50x128xf32, #tpu.memory_space<hbm>>
    %dma_wait3A_203 = tpu.memref_reshape %arg6 : memref<400x128xf32, #tpu.memory_space<vmem>> -> memref<8x50x128xf32, #tpu.memory_space<vmem>>
    tpu.wait_dma2 semaphore(%arg10 : memref<!tpu.dma_semaphore, #tpu.memory_space<semaphore_mem>>) src(%dma_wait3A_203 : memref<8x50x128xf32, #tpu.memory_space<vmem>>) dst(%dma_wait3A_202 : memref<8x50x128xf32, #tpu.memory_space<hbm>>)
    %dma_start3A_204 = arith.constant 3200 : i32
    %dma_start3A_205 = tpu.memref_slice %arg5[%dma_start3A_204] : memref<6400xi32, #tpu.memory_space<vmem>> -> memref<400xi32, #tpu.memory_space<vmem>>
    %dma_start3A_206 = arith.constant 0 : i32
    %dma_start3A_207 = arith.constant 0 : i32
    %dma_start3A_208 = tpu.memref_slice %arg2[%dma_start3A_206, %dma_start3A_207] : memref<100000x128xf32, #tpu.memory_space<hbm>> -> memref<100000x128xf32, #tpu.memory_space<hbm>>
    tpu.enqueue_indirect_dma source(%dma_start3A_208 : memref<100000x128xf32, #tpu.memory_space<hbm>>) target(%arg6 : memref<400x128xf32, #tpu.memory_space<vmem>>) offsets(%dma_start3A_205 : memref<400xi32, #tpu.memory_space<vmem>>) semaphore(%arg8 : memref<!tpu.dma_semaphore, #tpu.memory_space<semaphore_mem>>)
    %dma_wait3A_209 = arith.constant 2800 : i32
    %dma_wait3A_210 = tpu.memref_slice %arg5[%dma_wait3A_209] : memref<6400xi32, #tpu.memory_space<vmem>> -> memref<400xi32, #tpu.memory_space<vmem>>
    %dma_wait3A_211 = arith.constant 0 : i32
    %dma_wait3A_212 = arith.constant 0 : i32
    %dma_wait3A_213 = tpu.memref_slice %arg2[%dma_wait3A_211, %dma_wait3A_212] : memref<100000x128xf32, #tpu.memory_space<hbm>> -> memref<100000x128xf32, #tpu.memory_space<hbm>>
    tpu.wait_indirect_dma semaphore(%arg9 : memref<!tpu.dma_semaphore, #tpu.memory_space<semaphore_mem>>) src(%dma_wait3A_213 : memref<100000x128xf32, #tpu.memory_space<hbm>>) dst(%arg7 : memref<400x128xf32, #tpu.memory_space<vmem>>)
    %add3A_214 = arith.constant 56 : i32
    %add3A_215 = arith.addi %mul3A_2, %add3A_214 : i32
    %dma_start3A_216 = tpu.memref_reshape %arg7 : memref<400x128xf32, #tpu.memory_space<vmem>> -> memref<8x50x128xf32, #tpu.memory_space<vmem>>
    %dma_start3A_217 = arith.constant 0 : i32
    %dma_start3A_218 = arith.constant 0 : i32
    %dma_start3A_219 = tpu.memref_slice %arg4[%add3A_215, %dma_start3A_217, %dma_start3A_218] : memref<4096x50x128xf32, #tpu.memory_space<hbm>> -> memref<8x50x128xf32, #tpu.memory_space<hbm>>
    %dma_start3A_220 = arith.constant 0 : i32
    %dma_start3A_221 = arith.constant 0 : i32
    %dma_start3A_222 = tpu.memref_slice %arg4[%add3A_215, %dma_start3A_220, %dma_start3A_221] : memref<4096x50x128xf32, #tpu.memory_space<hbm>> -> memref<8x50x128xf32, #tpu.memory_space<hbm>>
    %dma_start3A_223 = tpu.memref_reshape %arg7 : memref<400x128xf32, #tpu.memory_space<vmem>> -> memref<8x50x128xf32, #tpu.memory_space<vmem>>
    tpu.enqueue_dma source(%dma_start3A_223 : memref<8x50x128xf32, #tpu.memory_space<vmem>>) target(%dma_start3A_222 : memref<8x50x128xf32, #tpu.memory_space<hbm>>) target_semaphore(%arg11 : memref<!tpu.dma_semaphore, #tpu.memory_space<semaphore_mem>>)
    %dma_wait3A_224 = tpu.memref_reshape %arg7 : memref<400x128xf32, #tpu.memory_space<vmem>> -> memref<8x50x128xf32, #tpu.memory_space<vmem>>
    %dma_wait3A_225 = arith.constant 0 : i32
    %dma_wait3A_226 = arith.constant 0 : i32
    %dma_wait3A_227 = tpu.memref_slice %arg4[%add3A_215, %dma_wait3A_225, %dma_wait3A_226] : memref<4096x50x128xf32, #tpu.memory_space<hbm>> -> memref<8x50x128xf32, #tpu.memory_space<hbm>>
    %dma_wait3A_228 = arith.constant 0 : i32
    %dma_wait3A_229 = arith.constant 0 : i32
    %dma_wait3A_230 = tpu.memref_slice %arg4[%add3A_215, %dma_wait3A_228, %dma_wait3A_229] : memref<4096x50x128xf32, #tpu.memory_space<hbm>> -> memref<8x50x128xf32, #tpu.memory_space<hbm>>
    %dma_wait3A_231 = tpu.memref_reshape %arg7 : memref<400x128xf32, #tpu.memory_space<vmem>> -> memref<8x50x128xf32, #tpu.memory_space<vmem>>
    tpu.wait_dma2 semaphore(%arg11 : memref<!tpu.dma_semaphore, #tpu.memory_space<semaphore_mem>>) src(%dma_wait3A_231 : memref<8x50x128xf32, #tpu.memory_space<vmem>>) dst(%dma_wait3A_230 : memref<8x50x128xf32, #tpu.memory_space<hbm>>)
    %dma_start3A_232 = arith.constant 3600 : i32
    %dma_start3A_233 = tpu.memref_slice %arg5[%dma_start3A_232] : memref<6400xi32, #tpu.memory_space<vmem>> -> memref<400xi32, #tpu.memory_space<vmem>>
    %dma_start3A_234 = arith.constant 0 : i32
    %dma_start3A_235 = arith.constant 0 : i32
    %dma_start3A_236 = tpu.memref_slice %arg2[%dma_start3A_234, %dma_start3A_235] : memref<100000x128xf32, #tpu.memory_space<hbm>> -> memref<100000x128xf32, #tpu.memory_space<hbm>>
    tpu.enqueue_indirect_dma source(%dma_start3A_236 : memref<100000x128xf32, #tpu.memory_space<hbm>>) target(%arg7 : memref<400x128xf32, #tpu.memory_space<vmem>>) offsets(%dma_start3A_233 : memref<400xi32, #tpu.memory_space<vmem>>) semaphore(%arg9 : memref<!tpu.dma_semaphore, #tpu.memory_space<semaphore_mem>>)
    %dma_wait3A_237 = arith.constant 3200 : i32
    %dma_wait3A_238 = tpu.memref_slice %arg5[%dma_wait3A_237] : memref<6400xi32, #tpu.memory_space<vmem>> -> memref<400xi32, #tpu.memory_space<vmem>>
    %dma_wait3A_239 = arith.constant 0 : i32
    %dma_wait3A_240 = arith.constant 0 : i32
    %dma_wait3A_241 = tpu.memref_slice %arg2[%dma_wait3A_239, %dma_wait3A_240] : memref<100000x128xf32, #tpu.memory_space<hbm>> -> memref<100000x128xf32, #tpu.memory_space<hbm>>
    tpu.wait_indirect_dma semaphore(%arg8 : memref<!tpu.dma_semaphore, #tpu.memory_space<semaphore_mem>>) src(%dma_wait3A_241 : memref<100000x128xf32, #tpu.memory_space<hbm>>) dst(%arg6 : memref<400x128xf32, #tpu.memory_space<vmem>>)
    %add3A_242 = arith.constant 64 : i32
    %add3A_243 = arith.addi %mul3A_2, %add3A_242 : i32
    %dma_start3A_244 = tpu.memref_reshape %arg6 : memref<400x128xf32, #tpu.memory_space<vmem>> -> memref<8x50x128xf32, #tpu.memory_space<vmem>>
    %dma_start3A_245 = arith.constant 0 : i32
    %dma_start3A_246 = arith.constant 0 : i32
    %dma_start3A_247 = tpu.memref_slice %arg4[%add3A_243, %dma_start3A_245, %dma_start3A_246] : memref<4096x50x128xf32, #tpu.memory_space<hbm>> -> memref<8x50x128xf32, #tpu.memory_space<hbm>>
    %dma_start3A_248 = arith.constant 0 : i32
    %dma_start3A_249 = arith.constant 0 : i32
    %dma_start3A_250 = tpu.memref_slice %arg4[%add3A_243, %dma_start3A_248, %dma_start3A_249] : memref<4096x50x128xf32, #tpu.memory_space<hbm>> -> memref<8x50x128xf32, #tpu.memory_space<hbm>>
    %dma_start3A_251 = tpu.memref_reshape %arg6 : memref<400x128xf32, #tpu.memory_space<vmem>> -> memref<8x50x128xf32, #tpu.memory_space<vmem>>
    tpu.enqueue_dma source(%dma_start3A_251 : memref<8x50x128xf32, #tpu.memory_space<vmem>>) target(%dma_start3A_250 : memref<8x50x128xf32, #tpu.memory_space<hbm>>) target_semaphore(%arg10 : memref<!tpu.dma_semaphore, #tpu.memory_space<semaphore_mem>>)
    %dma_wait3A_252 = tpu.memref_reshape %arg6 : memref<400x128xf32, #tpu.memory_space<vmem>> -> memref<8x50x128xf32, #tpu.memory_space<vmem>>
    %dma_wait3A_253 = arith.constant 0 : i32
    %dma_wait3A_254 = arith.constant 0 : i32
    %dma_wait3A_255 = tpu.memref_slice %arg4[%add3A_243, %dma_wait3A_253, %dma_wait3A_254] : memref<4096x50x128xf32, #tpu.memory_space<hbm>> -> memref<8x50x128xf32, #tpu.memory_space<hbm>>
    %dma_wait3A_256 = arith.constant 0 : i32
    %dma_wait3A_257 = arith.constant 0 : i32
    %dma_wait3A_258 = tpu.memref_slice %arg4[%add3A_243, %dma_wait3A_256, %dma_wait3A_257] : memref<4096x50x128xf32, #tpu.memory_space<hbm>> -> memref<8x50x128xf32, #tpu.memory_space<hbm>>
    %dma_wait3A_259 = tpu.memref_reshape %arg6 : memref<400x128xf32, #tpu.memory_space<vmem>> -> memref<8x50x128xf32, #tpu.memory_space<vmem>>
    tpu.wait_dma2 semaphore(%arg10 : memref<!tpu.dma_semaphore, #tpu.memory_space<semaphore_mem>>) src(%dma_wait3A_259 : memref<8x50x128xf32, #tpu.memory_space<vmem>>) dst(%dma_wait3A_258 : memref<8x50x128xf32, #tpu.memory_space<hbm>>)
    %dma_start3A_260 = arith.constant 4000 : i32
    %dma_start3A_261 = tpu.memref_slice %arg5[%dma_start3A_260] : memref<6400xi32, #tpu.memory_space<vmem>> -> memref<400xi32, #tpu.memory_space<vmem>>
    %dma_start3A_262 = arith.constant 0 : i32
    %dma_start3A_263 = arith.constant 0 : i32
    %dma_start3A_264 = tpu.memref_slice %arg2[%dma_start3A_262, %dma_start3A_263] : memref<100000x128xf32, #tpu.memory_space<hbm>> -> memref<100000x128xf32, #tpu.memory_space<hbm>>
    tpu.enqueue_indirect_dma source(%dma_start3A_264 : memref<100000x128xf32, #tpu.memory_space<hbm>>) target(%arg6 : memref<400x128xf32, #tpu.memory_space<vmem>>) offsets(%dma_start3A_261 : memref<400xi32, #tpu.memory_space<vmem>>) semaphore(%arg8 : memref<!tpu.dma_semaphore, #tpu.memory_space<semaphore_mem>>)
    %dma_wait3A_265 = arith.constant 3600 : i32
    %dma_wait3A_266 = tpu.memref_slice %arg5[%dma_wait3A_265] : memref<6400xi32, #tpu.memory_space<vmem>> -> memref<400xi32, #tpu.memory_space<vmem>>
    %dma_wait3A_267 = arith.constant 0 : i32
    %dma_wait3A_268 = arith.constant 0 : i32
    %dma_wait3A_269 = tpu.memref_slice %arg2[%dma_wait3A_267, %dma_wait3A_268] : memref<100000x128xf32, #tpu.memory_space<hbm>> -> memref<100000x128xf32, #tpu.memory_space<hbm>>
    tpu.wait_indirect_dma semaphore(%arg9 : memref<!tpu.dma_semaphore, #tpu.memory_space<semaphore_mem>>) src(%dma_wait3A_269 : memref<100000x128xf32, #tpu.memory_space<hbm>>) dst(%arg7 : memref<400x128xf32, #tpu.memory_space<vmem>>)
    %add3A_270 = arith.constant 72 : i32
    %add3A_271 = arith.addi %mul3A_2, %add3A_270 : i32
    %dma_start3A_272 = tpu.memref_reshape %arg7 : memref<400x128xf32, #tpu.memory_space<vmem>> -> memref<8x50x128xf32, #tpu.memory_space<vmem>>
    %dma_start3A_273 = arith.constant 0 : i32
    %dma_start3A_274 = arith.constant 0 : i32
    %dma_start3A_275 = tpu.memref_slice %arg4[%add3A_271, %dma_start3A_273, %dma_start3A_274] : memref<4096x50x128xf32, #tpu.memory_space<hbm>> -> memref<8x50x128xf32, #tpu.memory_space<hbm>>
    %dma_start3A_276 = arith.constant 0 : i32
    %dma_start3A_277 = arith.constant 0 : i32
    %dma_start3A_278 = tpu.memref_slice %arg4[%add3A_271, %dma_start3A_276, %dma_start3A_277] : memref<4096x50x128xf32, #tpu.memory_space<hbm>> -> memref<8x50x128xf32, #tpu.memory_space<hbm>>
    %dma_start3A_279 = tpu.memref_reshape %arg7 : memref<400x128xf32, #tpu.memory_space<vmem>> -> memref<8x50x128xf32, #tpu.memory_space<vmem>>
    tpu.enqueue_dma source(%dma_start3A_279 : memref<8x50x128xf32, #tpu.memory_space<vmem>>) target(%dma_start3A_278 : memref<8x50x128xf32, #tpu.memory_space<hbm>>) target_semaphore(%arg11 : memref<!tpu.dma_semaphore, #tpu.memory_space<semaphore_mem>>)
    %dma_wait3A_280 = tpu.memref_reshape %arg7 : memref<400x128xf32, #tpu.memory_space<vmem>> -> memref<8x50x128xf32, #tpu.memory_space<vmem>>
    %dma_wait3A_281 = arith.constant 0 : i32
    %dma_wait3A_282 = arith.constant 0 : i32
    %dma_wait3A_283 = tpu.memref_slice %arg4[%add3A_271, %dma_wait3A_281, %dma_wait3A_282] : memref<4096x50x128xf32, #tpu.memory_space<hbm>> -> memref<8x50x128xf32, #tpu.memory_space<hbm>>
    %dma_wait3A_284 = arith.constant 0 : i32
    %dma_wait3A_285 = arith.constant 0 : i32
    %dma_wait3A_286 = tpu.memref_slice %arg4[%add3A_271, %dma_wait3A_284, %dma_wait3A_285] : memref<4096x50x128xf32, #tpu.memory_space<hbm>> -> memref<8x50x128xf32, #tpu.memory_space<hbm>>
    %dma_wait3A_287 = tpu.memref_reshape %arg7 : memref<400x128xf32, #tpu.memory_space<vmem>> -> memref<8x50x128xf32, #tpu.memory_space<vmem>>
    tpu.wait_dma2 semaphore(%arg11 : memref<!tpu.dma_semaphore, #tpu.memory_space<semaphore_mem>>) src(%dma_wait3A_287 : memref<8x50x128xf32, #tpu.memory_space<vmem>>) dst(%dma_wait3A_286 : memref<8x50x128xf32, #tpu.memory_space<hbm>>)
    %dma_start3A_288 = arith.constant 4400 : i32
    %dma_start3A_289 = tpu.memref_slice %arg5[%dma_start3A_288] : memref<6400xi32, #tpu.memory_space<vmem>> -> memref<400xi32, #tpu.memory_space<vmem>>
    %dma_start3A_290 = arith.constant 0 : i32
    %dma_start3A_291 = arith.constant 0 : i32
    %dma_start3A_292 = tpu.memref_slice %arg2[%dma_start3A_290, %dma_start3A_291] : memref<100000x128xf32, #tpu.memory_space<hbm>> -> memref<100000x128xf32, #tpu.memory_space<hbm>>
    tpu.enqueue_indirect_dma source(%dma_start3A_292 : memref<100000x128xf32, #tpu.memory_space<hbm>>) target(%arg7 : memref<400x128xf32, #tpu.memory_space<vmem>>) offsets(%dma_start3A_289 : memref<400xi32, #tpu.memory_space<vmem>>) semaphore(%arg9 : memref<!tpu.dma_semaphore, #tpu.memory_space<semaphore_mem>>)
    %dma_wait3A_293 = arith.constant 4000 : i32
    %dma_wait3A_294 = tpu.memref_slice %arg5[%dma_wait3A_293] : memref<6400xi32, #tpu.memory_space<vmem>> -> memref<400xi32, #tpu.memory_space<vmem>>
    %dma_wait3A_295 = arith.constant 0 : i32
    %dma_wait3A_296 = arith.constant 0 : i32
    %dma_wait3A_297 = tpu.memref_slice %arg2[%dma_wait3A_295, %dma_wait3A_296] : memref<100000x128xf32, #tpu.memory_space<hbm>> -> memref<100000x128xf32, #tpu.memory_space<hbm>>
    tpu.wait_indirect_dma semaphore(%arg8 : memref<!tpu.dma_semaphore, #tpu.memory_space<semaphore_mem>>) src(%dma_wait3A_297 : memref<100000x128xf32, #tpu.memory_space<hbm>>) dst(%arg6 : memref<400x128xf32, #tpu.memory_space<vmem>>)
    %add3A_298 = arith.constant 80 : i32
    %add3A_299 = arith.addi %mul3A_2, %add3A_298 : i32
    %dma_start3A_300 = tpu.memref_reshape %arg6 : memref<400x128xf32, #tpu.memory_space<vmem>> -> memref<8x50x128xf32, #tpu.memory_space<vmem>>
    %dma_start3A_301 = arith.constant 0 : i32
    %dma_start3A_302 = arith.constant 0 : i32
    %dma_start3A_303 = tpu.memref_slice %arg4[%add3A_299, %dma_start3A_301, %dma_start3A_302] : memref<4096x50x128xf32, #tpu.memory_space<hbm>> -> memref<8x50x128xf32, #tpu.memory_space<hbm>>
    %dma_start3A_304 = arith.constant 0 : i32
    %dma_start3A_305 = arith.constant 0 : i32
    %dma_start3A_306 = tpu.memref_slice %arg4[%add3A_299, %dma_start3A_304, %dma_start3A_305] : memref<4096x50x128xf32, #tpu.memory_space<hbm>> -> memref<8x50x128xf32, #tpu.memory_space<hbm>>
    %dma_start3A_307 = tpu.memref_reshape %arg6 : memref<400x128xf32, #tpu.memory_space<vmem>> -> memref<8x50x128xf32, #tpu.memory_space<vmem>>
    tpu.enqueue_dma source(%dma_start3A_307 : memref<8x50x128xf32, #tpu.memory_space<vmem>>) target(%dma_start3A_306 : memref<8x50x128xf32, #tpu.memory_space<hbm>>) target_semaphore(%arg10 : memref<!tpu.dma_semaphore, #tpu.memory_space<semaphore_mem>>)
    %dma_wait3A_308 = tpu.memref_reshape %arg6 : memref<400x128xf32, #tpu.memory_space<vmem>> -> memref<8x50x128xf32, #tpu.memory_space<vmem>>
    %dma_wait3A_309 = arith.constant 0 : i32
    %dma_wait3A_310 = arith.constant 0 : i32
    %dma_wait3A_311 = tpu.memref_slice %arg4[%add3A_299, %dma_wait3A_309, %dma_wait3A_310] : memref<4096x50x128xf32, #tpu.memory_space<hbm>> -> memref<8x50x128xf32, #tpu.memory_space<hbm>>
    %dma_wait3A_312 = arith.constant 0 : i32
    %dma_wait3A_313 = arith.constant 0 : i32
    %dma_wait3A_314 = tpu.memref_slice %arg4[%add3A_299, %dma_wait3A_312, %dma_wait3A_313] : memref<4096x50x128xf32, #tpu.memory_space<hbm>> -> memref<8x50x128xf32, #tpu.memory_space<hbm>>
    %dma_wait3A_315 = tpu.memref_reshape %arg6 : memref<400x128xf32, #tpu.memory_space<vmem>> -> memref<8x50x128xf32, #tpu.memory_space<vmem>>
    tpu.wait_dma2 semaphore(%arg10 : memref<!tpu.dma_semaphore, #tpu.memory_space<semaphore_mem>>) src(%dma_wait3A_315 : memref<8x50x128xf32, #tpu.memory_space<vmem>>) dst(%dma_wait3A_314 : memref<8x50x128xf32, #tpu.memory_space<hbm>>)
    %dma_start3A_316 = arith.constant 4800 : i32
    %dma_start3A_317 = tpu.memref_slice %arg5[%dma_start3A_316] : memref<6400xi32, #tpu.memory_space<vmem>> -> memref<400xi32, #tpu.memory_space<vmem>>
    %dma_start3A_318 = arith.constant 0 : i32
    %dma_start3A_319 = arith.constant 0 : i32
    %dma_start3A_320 = tpu.memref_slice %arg2[%dma_start3A_318, %dma_start3A_319] : memref<100000x128xf32, #tpu.memory_space<hbm>> -> memref<100000x128xf32, #tpu.memory_space<hbm>>
    tpu.enqueue_indirect_dma source(%dma_start3A_320 : memref<100000x128xf32, #tpu.memory_space<hbm>>) target(%arg6 : memref<400x128xf32, #tpu.memory_space<vmem>>) offsets(%dma_start3A_317 : memref<400xi32, #tpu.memory_space<vmem>>) semaphore(%arg8 : memref<!tpu.dma_semaphore, #tpu.memory_space<semaphore_mem>>)
    %dma_wait3A_321 = arith.constant 4400 : i32
    %dma_wait3A_322 = tpu.memref_slice %arg5[%dma_wait3A_321] : memref<6400xi32, #tpu.memory_space<vmem>> -> memref<400xi32, #tpu.memory_space<vmem>>
    %dma_wait3A_323 = arith.constant 0 : i32
    %dma_wait3A_324 = arith.constant 0 : i32
    %dma_wait3A_325 = tpu.memref_slice %arg2[%dma_wait3A_323, %dma_wait3A_324] : memref<100000x128xf32, #tpu.memory_space<hbm>> -> memref<100000x128xf32, #tpu.memory_space<hbm>>
    tpu.wait_indirect_dma semaphore(%arg9 : memref<!tpu.dma_semaphore, #tpu.memory_space<semaphore_mem>>) src(%dma_wait3A_325 : memref<100000x128xf32, #tpu.memory_space<hbm>>) dst(%arg7 : memref<400x128xf32, #tpu.memory_space<vmem>>)
    %add3A_326 = arith.constant 88 : i32
    %add3A_327 = arith.addi %mul3A_2, %add3A_326 : i32
    %dma_start3A_328 = tpu.memref_reshape %arg7 : memref<400x128xf32, #tpu.memory_space<vmem>> -> memref<8x50x128xf32, #tpu.memory_space<vmem>>
    %dma_start3A_329 = arith.constant 0 : i32
    %dma_start3A_330 = arith.constant 0 : i32
    %dma_start3A_331 = tpu.memref_slice %arg4[%add3A_327, %dma_start3A_329, %dma_start3A_330] : memref<4096x50x128xf32, #tpu.memory_space<hbm>> -> memref<8x50x128xf32, #tpu.memory_space<hbm>>
    %dma_start3A_332 = arith.constant 0 : i32
    %dma_start3A_333 = arith.constant 0 : i32
    %dma_start3A_334 = tpu.memref_slice %arg4[%add3A_327, %dma_start3A_332, %dma_start3A_333] : memref<4096x50x128xf32, #tpu.memory_space<hbm>> -> memref<8x50x128xf32, #tpu.memory_space<hbm>>
    %dma_start3A_335 = tpu.memref_reshape %arg7 : memref<400x128xf32, #tpu.memory_space<vmem>> -> memref<8x50x128xf32, #tpu.memory_space<vmem>>
    tpu.enqueue_dma source(%dma_start3A_335 : memref<8x50x128xf32, #tpu.memory_space<vmem>>) target(%dma_start3A_334 : memref<8x50x128xf32, #tpu.memory_space<hbm>>) target_semaphore(%arg11 : memref<!tpu.dma_semaphore, #tpu.memory_space<semaphore_mem>>)
    %dma_wait3A_336 = tpu.memref_reshape %arg7 : memref<400x128xf32, #tpu.memory_space<vmem>> -> memref<8x50x128xf32, #tpu.memory_space<vmem>>
    %dma_wait3A_337 = arith.constant 0 : i32
    %dma_wait3A_338 = arith.constant 0 : i32
    %dma_wait3A_339 = tpu.memref_slice %arg4[%add3A_327, %dma_wait3A_337, %dma_wait3A_338] : memref<4096x50x128xf32, #tpu.memory_space<hbm>> -> memref<8x50x128xf32, #tpu.memory_space<hbm>>
    %dma_wait3A_340 = arith.constant 0 : i32
    %dma_wait3A_341 = arith.constant 0 : i32
    %dma_wait3A_342 = tpu.memref_slice %arg4[%add3A_327, %dma_wait3A_340, %dma_wait3A_341] : memref<4096x50x128xf32, #tpu.memory_space<hbm>> -> memref<8x50x128xf32, #tpu.memory_space<hbm>>
    %dma_wait3A_343 = tpu.memref_reshape %arg7 : memref<400x128xf32, #tpu.memory_space<vmem>> -> memref<8x50x128xf32, #tpu.memory_space<vmem>>
    tpu.wait_dma2 semaphore(%arg11 : memref<!tpu.dma_semaphore, #tpu.memory_space<semaphore_mem>>) src(%dma_wait3A_343 : memref<8x50x128xf32, #tpu.memory_space<vmem>>) dst(%dma_wait3A_342 : memref<8x50x128xf32, #tpu.memory_space<hbm>>)
    %dma_start3A_344 = arith.constant 5200 : i32
    %dma_start3A_345 = tpu.memref_slice %arg5[%dma_start3A_344] : memref<6400xi32, #tpu.memory_space<vmem>> -> memref<400xi32, #tpu.memory_space<vmem>>
    %dma_start3A_346 = arith.constant 0 : i32
    %dma_start3A_347 = arith.constant 0 : i32
    %dma_start3A_348 = tpu.memref_slice %arg2[%dma_start3A_346, %dma_start3A_347] : memref<100000x128xf32, #tpu.memory_space<hbm>> -> memref<100000x128xf32, #tpu.memory_space<hbm>>
    tpu.enqueue_indirect_dma source(%dma_start3A_348 : memref<100000x128xf32, #tpu.memory_space<hbm>>) target(%arg7 : memref<400x128xf32, #tpu.memory_space<vmem>>) offsets(%dma_start3A_345 : memref<400xi32, #tpu.memory_space<vmem>>) semaphore(%arg9 : memref<!tpu.dma_semaphore, #tpu.memory_space<semaphore_mem>>)
    %dma_wait3A_349 = arith.constant 4800 : i32
    %dma_wait3A_350 = tpu.memref_slice %arg5[%dma_wait3A_349] : memref<6400xi32, #tpu.memory_space<vmem>> -> memref<400xi32, #tpu.memory_space<vmem>>
    %dma_wait3A_351 = arith.constant 0 : i32
    %dma_wait3A_352 = arith.constant 0 : i32
    %dma_wait3A_353 = tpu.memref_slice %arg2[%dma_wait3A_351, %dma_wait3A_352] : memref<100000x128xf32, #tpu.memory_space<hbm>> -> memref<100000x128xf32, #tpu.memory_space<hbm>>
    tpu.wait_indirect_dma semaphore(%arg8 : memref<!tpu.dma_semaphore, #tpu.memory_space<semaphore_mem>>) src(%dma_wait3A_353 : memref<100000x128xf32, #tpu.memory_space<hbm>>) dst(%arg6 : memref<400x128xf32, #tpu.memory_space<vmem>>)
    %add3A_354 = arith.constant 96 : i32
    %add3A_355 = arith.addi %mul3A_2, %add3A_354 : i32
    %dma_start3A_356 = tpu.memref_reshape %arg6 : memref<400x128xf32, #tpu.memory_space<vmem>> -> memref<8x50x128xf32, #tpu.memory_space<vmem>>
    %dma_start3A_357 = arith.constant 0 : i32
    %dma_start3A_358 = arith.constant 0 : i32
    %dma_start3A_359 = tpu.memref_slice %arg4[%add3A_355, %dma_start3A_357, %dma_start3A_358] : memref<4096x50x128xf32, #tpu.memory_space<hbm>> -> memref<8x50x128xf32, #tpu.memory_space<hbm>>
    %dma_start3A_360 = arith.constant 0 : i32
    %dma_start3A_361 = arith.constant 0 : i32
    %dma_start3A_362 = tpu.memref_slice %arg4[%add3A_355, %dma_start3A_360, %dma_start3A_361] : memref<4096x50x128xf32, #tpu.memory_space<hbm>> -> memref<8x50x128xf32, #tpu.memory_space<hbm>>
    %dma_start3A_363 = tpu.memref_reshape %arg6 : memref<400x128xf32, #tpu.memory_space<vmem>> -> memref<8x50x128xf32, #tpu.memory_space<vmem>>
    tpu.enqueue_dma source(%dma_start3A_363 : memref<8x50x128xf32, #tpu.memory_space<vmem>>) target(%dma_start3A_362 : memref<8x50x128xf32, #tpu.memory_space<hbm>>) target_semaphore(%arg10 : memref<!tpu.dma_semaphore, #tpu.memory_space<semaphore_mem>>)
    %dma_wait3A_364 = tpu.memref_reshape %arg6 : memref<400x128xf32, #tpu.memory_space<vmem>> -> memref<8x50x128xf32, #tpu.memory_space<vmem>>
    %dma_wait3A_365 = arith.constant 0 : i32
    %dma_wait3A_366 = arith.constant 0 : i32
    %dma_wait3A_367 = tpu.memref_slice %arg4[%add3A_355, %dma_wait3A_365, %dma_wait3A_366] : memref<4096x50x128xf32, #tpu.memory_space<hbm>> -> memref<8x50x128xf32, #tpu.memory_space<hbm>>
    %dma_wait3A_368 = arith.constant 0 : i32
    %dma_wait3A_369 = arith.constant 0 : i32
    %dma_wait3A_370 = tpu.memref_slice %arg4[%add3A_355, %dma_wait3A_368, %dma_wait3A_369] : memref<4096x50x128xf32, #tpu.memory_space<hbm>> -> memref<8x50x128xf32, #tpu.memory_space<hbm>>
    %dma_wait3A_371 = tpu.memref_reshape %arg6 : memref<400x128xf32, #tpu.memory_space<vmem>> -> memref<8x50x128xf32, #tpu.memory_space<vmem>>
    tpu.wait_dma2 semaphore(%arg10 : memref<!tpu.dma_semaphore, #tpu.memory_space<semaphore_mem>>) src(%dma_wait3A_371 : memref<8x50x128xf32, #tpu.memory_space<vmem>>) dst(%dma_wait3A_370 : memref<8x50x128xf32, #tpu.memory_space<hbm>>)
    %dma_start3A_372 = arith.constant 5600 : i32
    %dma_start3A_373 = tpu.memref_slice %arg5[%dma_start3A_372] : memref<6400xi32, #tpu.memory_space<vmem>> -> memref<400xi32, #tpu.memory_space<vmem>>
    %dma_start3A_374 = arith.constant 0 : i32
    %dma_start3A_375 = arith.constant 0 : i32
    %dma_start3A_376 = tpu.memref_slice %arg2[%dma_start3A_374, %dma_start3A_375] : memref<100000x128xf32, #tpu.memory_space<hbm>> -> memref<100000x128xf32, #tpu.memory_space<hbm>>
    tpu.enqueue_indirect_dma source(%dma_start3A_376 : memref<100000x128xf32, #tpu.memory_space<hbm>>) target(%arg6 : memref<400x128xf32, #tpu.memory_space<vmem>>) offsets(%dma_start3A_373 : memref<400xi32, #tpu.memory_space<vmem>>) semaphore(%arg8 : memref<!tpu.dma_semaphore, #tpu.memory_space<semaphore_mem>>)
    %dma_wait3A_377 = arith.constant 5200 : i32
    %dma_wait3A_378 = tpu.memref_slice %arg5[%dma_wait3A_377] : memref<6400xi32, #tpu.memory_space<vmem>> -> memref<400xi32, #tpu.memory_space<vmem>>
    %dma_wait3A_379 = arith.constant 0 : i32
    %dma_wait3A_380 = arith.constant 0 : i32
    %dma_wait3A_381 = tpu.memref_slice %arg2[%dma_wait3A_379, %dma_wait3A_380] : memref<100000x128xf32, #tpu.memory_space<hbm>> -> memref<100000x128xf32, #tpu.memory_space<hbm>>
    tpu.wait_indirect_dma semaphore(%arg9 : memref<!tpu.dma_semaphore, #tpu.memory_space<semaphore_mem>>) src(%dma_wait3A_381 : memref<100000x128xf32, #tpu.memory_space<hbm>>) dst(%arg7 : memref<400x128xf32, #tpu.memory_space<vmem>>)
    %add3A_382 = arith.constant 104 : i32
    %add3A_383 = arith.addi %mul3A_2, %add3A_382 : i32
    %dma_start3A_384 = tpu.memref_reshape %arg7 : memref<400x128xf32, #tpu.memory_space<vmem>> -> memref<8x50x128xf32, #tpu.memory_space<vmem>>
    %dma_start3A_385 = arith.constant 0 : i32
    %dma_start3A_386 = arith.constant 0 : i32
    %dma_start3A_387 = tpu.memref_slice %arg4[%add3A_383, %dma_start3A_385, %dma_start3A_386] : memref<4096x50x128xf32, #tpu.memory_space<hbm>> -> memref<8x50x128xf32, #tpu.memory_space<hbm>>
    %dma_start3A_388 = arith.constant 0 : i32
    %dma_start3A_389 = arith.constant 0 : i32
    %dma_start3A_390 = tpu.memref_slice %arg4[%add3A_383, %dma_start3A_388, %dma_start3A_389] : memref<4096x50x128xf32, #tpu.memory_space<hbm>> -> memref<8x50x128xf32, #tpu.memory_space<hbm>>
    %dma_start3A_391 = tpu.memref_reshape %arg7 : memref<400x128xf32, #tpu.memory_space<vmem>> -> memref<8x50x128xf32, #tpu.memory_space<vmem>>
    tpu.enqueue_dma source(%dma_start3A_391 : memref<8x50x128xf32, #tpu.memory_space<vmem>>) target(%dma_start3A_390 : memref<8x50x128xf32, #tpu.memory_space<hbm>>) target_semaphore(%arg11 : memref<!tpu.dma_semaphore, #tpu.memory_space<semaphore_mem>>)
    %dma_wait3A_392 = tpu.memref_reshape %arg7 : memref<400x128xf32, #tpu.memory_space<vmem>> -> memref<8x50x128xf32, #tpu.memory_space<vmem>>
    %dma_wait3A_393 = arith.constant 0 : i32
    %dma_wait3A_394 = arith.constant 0 : i32
    %dma_wait3A_395 = tpu.memref_slice %arg4[%add3A_383, %dma_wait3A_393, %dma_wait3A_394] : memref<4096x50x128xf32, #tpu.memory_space<hbm>> -> memref<8x50x128xf32, #tpu.memory_space<hbm>>
    %dma_wait3A_396 = arith.constant 0 : i32
    %dma_wait3A_397 = arith.constant 0 : i32
    %dma_wait3A_398 = tpu.memref_slice %arg4[%add3A_383, %dma_wait3A_396, %dma_wait3A_397] : memref<4096x50x128xf32, #tpu.memory_space<hbm>> -> memref<8x50x128xf32, #tpu.memory_space<hbm>>
    %dma_wait3A_399 = tpu.memref_reshape %arg7 : memref<400x128xf32, #tpu.memory_space<vmem>> -> memref<8x50x128xf32, #tpu.memory_space<vmem>>
    tpu.wait_dma2 semaphore(%arg11 : memref<!tpu.dma_semaphore, #tpu.memory_space<semaphore_mem>>) src(%dma_wait3A_399 : memref<8x50x128xf32, #tpu.memory_space<vmem>>) dst(%dma_wait3A_398 : memref<8x50x128xf32, #tpu.memory_space<hbm>>)
    %dma_start3A_400 = arith.constant 6000 : i32
    %dma_start3A_401 = tpu.memref_slice %arg5[%dma_start3A_400] : memref<6400xi32, #tpu.memory_space<vmem>> -> memref<400xi32, #tpu.memory_space<vmem>>
    %dma_start3A_402 = arith.constant 0 : i32
    %dma_start3A_403 = arith.constant 0 : i32
    %dma_start3A_404 = tpu.memref_slice %arg2[%dma_start3A_402, %dma_start3A_403] : memref<100000x128xf32, #tpu.memory_space<hbm>> -> memref<100000x128xf32, #tpu.memory_space<hbm>>
    tpu.enqueue_indirect_dma source(%dma_start3A_404 : memref<100000x128xf32, #tpu.memory_space<hbm>>) target(%arg7 : memref<400x128xf32, #tpu.memory_space<vmem>>) offsets(%dma_start3A_401 : memref<400xi32, #tpu.memory_space<vmem>>) semaphore(%arg9 : memref<!tpu.dma_semaphore, #tpu.memory_space<semaphore_mem>>)
    %dma_wait3A_405 = arith.constant 5600 : i32
    %dma_wait3A_406 = tpu.memref_slice %arg5[%dma_wait3A_405] : memref<6400xi32, #tpu.memory_space<vmem>> -> memref<400xi32, #tpu.memory_space<vmem>>
    %dma_wait3A_407 = arith.constant 0 : i32
    %dma_wait3A_408 = arith.constant 0 : i32
    %dma_wait3A_409 = tpu.memref_slice %arg2[%dma_wait3A_407, %dma_wait3A_408] : memref<100000x128xf32, #tpu.memory_space<hbm>> -> memref<100000x128xf32, #tpu.memory_space<hbm>>
    tpu.wait_indirect_dma semaphore(%arg8 : memref<!tpu.dma_semaphore, #tpu.memory_space<semaphore_mem>>) src(%dma_wait3A_409 : memref<100000x128xf32, #tpu.memory_space<hbm>>) dst(%arg6 : memref<400x128xf32, #tpu.memory_space<vmem>>)
    %add3A_410 = arith.constant 112 : i32
    %add3A_411 = arith.addi %mul3A_2, %add3A_410 : i32
    %dma_start3A_412 = tpu.memref_reshape %arg6 : memref<400x128xf32, #tpu.memory_space<vmem>> -> memref<8x50x128xf32, #tpu.memory_space<vmem>>
    %dma_start3A_413 = arith.constant 0 : i32
    %dma_start3A_414 = arith.constant 0 : i32
    %dma_start3A_415 = tpu.memref_slice %arg4[%add3A_411, %dma_start3A_413, %dma_start3A_414] : memref<4096x50x128xf32, #tpu.memory_space<hbm>> -> memref<8x50x128xf32, #tpu.memory_space<hbm>>
    %dma_start3A_416 = arith.constant 0 : i32
    %dma_start3A_417 = arith.constant 0 : i32
    %dma_start3A_418 = tpu.memref_slice %arg4[%add3A_411, %dma_start3A_416, %dma_start3A_417] : memref<4096x50x128xf32, #tpu.memory_space<hbm>> -> memref<8x50x128xf32, #tpu.memory_space<hbm>>
    %dma_start3A_419 = tpu.memref_reshape %arg6 : memref<400x128xf32, #tpu.memory_space<vmem>> -> memref<8x50x128xf32, #tpu.memory_space<vmem>>
    tpu.enqueue_dma source(%dma_start3A_419 : memref<8x50x128xf32, #tpu.memory_space<vmem>>) target(%dma_start3A_418 : memref<8x50x128xf32, #tpu.memory_space<hbm>>) target_semaphore(%arg10 : memref<!tpu.dma_semaphore, #tpu.memory_space<semaphore_mem>>)
    %dma_wait3A_420 = tpu.memref_reshape %arg6 : memref<400x128xf32, #tpu.memory_space<vmem>> -> memref<8x50x128xf32, #tpu.memory_space<vmem>>
    %dma_wait3A_421 = arith.constant 0 : i32
    %dma_wait3A_422 = arith.constant 0 : i32
    %dma_wait3A_423 = tpu.memref_slice %arg4[%add3A_411, %dma_wait3A_421, %dma_wait3A_422] : memref<4096x50x128xf32, #tpu.memory_space<hbm>> -> memref<8x50x128xf32, #tpu.memory_space<hbm>>
    %dma_wait3A_424 = arith.constant 0 : i32
    %dma_wait3A_425 = arith.constant 0 : i32
    %dma_wait3A_426 = tpu.memref_slice %arg4[%add3A_411, %dma_wait3A_424, %dma_wait3A_425] : memref<4096x50x128xf32, #tpu.memory_space<hbm>> -> memref<8x50x128xf32, #tpu.memory_space<hbm>>
    %dma_wait3A_427 = tpu.memref_reshape %arg6 : memref<400x128xf32, #tpu.memory_space<vmem>> -> memref<8x50x128xf32, #tpu.memory_space<vmem>>
    tpu.wait_dma2 semaphore(%arg10 : memref<!tpu.dma_semaphore, #tpu.memory_space<semaphore_mem>>) src(%dma_wait3A_427 : memref<8x50x128xf32, #tpu.memory_space<vmem>>) dst(%dma_wait3A_426 : memref<8x50x128xf32, #tpu.memory_space<hbm>>)
    %dma_wait3A_428 = arith.constant 6000 : i32
    %dma_wait3A_429 = tpu.memref_slice %arg5[%dma_wait3A_428] : memref<6400xi32, #tpu.memory_space<vmem>> -> memref<400xi32, #tpu.memory_space<vmem>>
    %dma_wait3A_430 = arith.constant 0 : i32
    %dma_wait3A_431 = arith.constant 0 : i32
    %dma_wait3A_432 = tpu.memref_slice %arg2[%dma_wait3A_430, %dma_wait3A_431] : memref<100000x128xf32, #tpu.memory_space<hbm>> -> memref<100000x128xf32, #tpu.memory_space<hbm>>
    tpu.wait_indirect_dma semaphore(%arg9 : memref<!tpu.dma_semaphore, #tpu.memory_space<semaphore_mem>>) src(%dma_wait3A_432 : memref<100000x128xf32, #tpu.memory_space<hbm>>) dst(%arg7 : memref<400x128xf32, #tpu.memory_space<vmem>>)
    %add3A_433 = arith.constant 120 : i32
    %add3A_434 = arith.addi %mul3A_2, %add3A_433 : i32
    %dma_start3A_435 = tpu.memref_reshape %arg7 : memref<400x128xf32, #tpu.memory_space<vmem>> -> memref<8x50x128xf32, #tpu.memory_space<vmem>>
    %dma_start3A_436 = arith.constant 0 : i32
    %dma_start3A_437 = arith.constant 0 : i32
    %dma_start3A_438 = tpu.memref_slice %arg4[%add3A_434, %dma_start3A_436, %dma_start3A_437] : memref<4096x50x128xf32, #tpu.memory_space<hbm>> -> memref<8x50x128xf32, #tpu.memory_space<hbm>>
    %dma_start3A_439 = arith.constant 0 : i32
    %dma_start3A_440 = arith.constant 0 : i32
    %dma_start3A_441 = tpu.memref_slice %arg4[%add3A_434, %dma_start3A_439, %dma_start3A_440] : memref<4096x50x128xf32, #tpu.memory_space<hbm>> -> memref<8x50x128xf32, #tpu.memory_space<hbm>>
    %dma_start3A_442 = tpu.memref_reshape %arg7 : memref<400x128xf32, #tpu.memory_space<vmem>> -> memref<8x50x128xf32, #tpu.memory_space<vmem>>
    tpu.enqueue_dma source(%dma_start3A_442 : memref<8x50x128xf32, #tpu.memory_space<vmem>>) target(%dma_start3A_441 : memref<8x50x128xf32, #tpu.memory_space<hbm>>) target_semaphore(%arg11 : memref<!tpu.dma_semaphore, #tpu.memory_space<semaphore_mem>>)
    %dma_wait3A_443 = tpu.memref_reshape %arg7 : memref<400x128xf32, #tpu.memory_space<vmem>> -> memref<8x50x128xf32, #tpu.memory_space<vmem>>
    %dma_wait3A_444 = arith.constant 0 : i32
    %dma_wait3A_445 = arith.constant 0 : i32
    %dma_wait3A_446 = tpu.memref_slice %arg4[%add3A_434, %dma_wait3A_444, %dma_wait3A_445] : memref<4096x50x128xf32, #tpu.memory_space<hbm>> -> memref<8x50x128xf32, #tpu.memory_space<hbm>>
    %dma_wait3A_447 = arith.constant 0 : i32
    %dma_wait3A_448 = arith.constant 0 : i32
    %dma_wait3A_449 = tpu.memref_slice %arg4[%add3A_434, %dma_wait3A_447, %dma_wait3A_448] : memref<4096x50x128xf32, #tpu.memory_space<hbm>> -> memref<8x50x128xf32, #tpu.memory_space<hbm>>
    %dma_wait3A_450 = tpu.memref_reshape %arg7 : memref<400x128xf32, #tpu.memory_space<vmem>> -> memref<8x50x128xf32, #tpu.memory_space<vmem>>
    tpu.wait_dma2 semaphore(%arg11 : memref<!tpu.dma_semaphore, #tpu.memory_space<semaphore_mem>>) src(%dma_wait3A_450 : memref<8x50x128xf32, #tpu.memory_space<vmem>>) dst(%dma_wait3A_449 : memref<8x50x128xf32, #tpu.memory_space<hbm>>)
    return
  }
}

module attributes {stable_mosaic.version = 14 : i64} {
  func.func @_scale_body(%arg0: i32, %arg1: memref<10000x128xf32, #tpu.memory_space<vmem>>, %arg2: memref<10000x128xf32, #tpu.memory_space<vmem>>) attributes {dimension_semantics = [#tpu.dimension_semantics<arbitrary>], iteration_bounds = array<i64: 10>, scalar_prefetch = 0 : i64, scratch_operands = 0 : i64, tpu.core_type = #tpu.core_type<tc>, window_params = [{transform_indices = @transform_0, window_bounds = array<i64: 10000, 128>}, {transform_indices = @transform_1, window_bounds = array<i64: 10000, 128>}]} {
    %get3A = arith.constant 0 : index
    %get3A_0 = arith.constant 0 : index
    %get3A_1 = vector.load %arg1[%get3A, %get3A_0] : memref<10000x128xf32, #tpu.memory_space<vmem>>, vector<10000x128xf32>
    %mul3A = arith.constant 11.3137083 : f32
    %mul3A_2 = vector.broadcast %mul3A : f32 to vector<10000x128xf32>
    %mul3A_3 = arith.mulf %get3A_1, %mul3A_2 : vector<10000x128xf32>
    %swap3A = arith.constant 0 : index
    %swap3A_4 = arith.constant 0 : index
    %swap3A_5 = vector.load %arg2[%swap3A, %swap3A_4] : memref<10000x128xf32, #tpu.memory_space<vmem>>, vector<10000x128xf32>
    tpu.vector_store %arg2[%swap3A, %swap3A_4], %mul3A_3 {strides = array<i32>} : memref<10000x128xf32, #tpu.memory_space<vmem>>, vector<10000x128xf32>,
    return
  }
  func.func @transform_0(%arg0: i32) -> (i32, i32) {
    %c0_i32 = arith.constant 0 : i32
    %c0_i32_0 = arith.constant 0 : i32
    return %arg0, %c0_i32 : i32, i32
  }
  func.func @transform_1(%arg0: i32) -> (i32, i32) {
    %c0_i32 = arith.constant 0 : i32
    %c0_i32_0 = arith.constant 0 : i32
    return %arg0, %c0_i32 : i32, i32
  }
}

</mosaic_0001>

<sc_bundles>
// kernel: kernel.4.cloned.1.call-start
scs
__scs_entry_jumppad:
0x0: {  	(pc) =	sbr.rel $0x88, $3  }
0x1: {  	(tag) =	ssettag $0x0;
	lr =	simm.s32 $0x1  }
0x2: {  	[smem:$0x3F9F] =	sst lr;
	_ =	strace $0xD0000000  }
0x3: {  	_ = 	snop  }
0x4: {  	_ = 	snop  }
0x5: {  	_ = 	snop  }
0x6: {  	_ = 	snop  }
0x7: {  	_ = 	snop  }
__scs_overlays_trampoline_lowered:
0x8: {  	[smem:$0x3FAE] =	sst s0  }
0x9: {  	[smem:$0x3FAF] =	sst s1  }
0xa: {  	[smem:$0x3FB0] =	sst s2  }
0xb: {  	[smem:$0x3FB1] =	sst s3  }
0xc: {  	[smem:$0x3FB2] =	sst s4  }
0xd: {  	[smem:$0x3FB3] =	sst s5  }
0xe: {  	[smem:$0x3FB4] =	sst s6  }
0xf: {  	[smem:$0x3FB5] =	sst s7  }
0x10: {  	[smem:$0x3FB6] =	sst s8  }
0x11: {  	[smem:$0x3FB7] =	sst s9;
	s0 =	simm.s32 @!p0 $0x0  }
0x12: {  	s1 =	sld [smem:$0x3F9D];
	s0 =	simm.s32 @p0 $0x1  }
0x13: {  	[smem:$0x3FB8] =	sst s0;
	s0 =	simm.s32 @!p1 $0x0  }
0x14: {  	s2 =	sld [smem:$0x3F9C];
	s0 =	simm.s32 @p1 $0x1  }
0x15: {  	[smem:$0x3FB9] =	sst s0;
	s0 =	simm.s32 @!p2 $0x0  }
0x16: {  	s3 =	sld [smem:$0x3FDB];
	s0 =	simm.s32 @p2 $0x1  }
0x17: {  	s4 =	simm.s32 $0x1BF5;
	[smem:$0x3FBB] =	sst s0  }
0x18: {  	s0 =	sld [smem:$0x3F9E];
	_ =	swait.ge [sflag:s4], $0x0  }
0x19: {  	s7 =	sld [smem:$0x3F9F]  }
0x1a: {  	s8 =	sadd.s32 $0xFFFFE003, lr  }
0x1b: {  	s9 =	sadd.s32 $0xFFFFFEF7, lr;
	s5 =	simm.s32 $0xFFFFFFFF;
	p2 =	slt.u32 s8, $0xFFFFF086  }
0x1c: {  	p1 =	slt.u32 s9, $0xF7A;
	s5 =	simm.s32 @!p2 $0x0  }
0x1d: {  	s5 =	simm.s32 @p1 $0x1;
	p0 =	seq.s32 s7, s2  }
0x1e: {  	s7 =	smul.u32 @!p0 $0xF7A, s2;
	p2 =	seq.s32 @!p0 s5, $0x0  }
0x1f: {  	s9 =	smul.u32 $0xF7A, s1;
	s8 =	simm.s32 @!p0 $0x1BF5;
	p2 =	por !p2, p0  }
0x20: {  	[sflag:s8] =	ssyncset.s32 @!p0 $0xFFFFF086;
	s6 =	sadd.s32 @!p0 s3, s7;
	s7 =	simm.s32 @!p0 $0x108  }
0x21: {  	s3 =	sadd.s32 s3, s9;
	s6 =	sadd.s32 @!p0 $0x88, s6;
	s7 =	simm.s32 @p2 $0x1082  }
0x22: {  	[simem:s7], [sflag:s8] =	dma.local @!p0 [hbm:s6], $0xF7A  }
0x23: {  	s9 =	sor.u32 $0xD0000000, s2;
	s6 =	simm.s32 $0x108;
	_ =	swait.ge @!p0 [sflag:s8], $0x0  }
0x24: {  	s3 =	sadd.s32 $0x88, s3;
	s6 =	simm.s32 @!p1 $0x1082;
	[sflag:s4] =	ssyncset.s32 $0xFFFFF086  }
0x25: {  	[simem:s6], [sflag:s4] =	dma.local [hbm:s3], $0xF7A  }
0x26: {  	[smem:$0x3F9F] =	sst s1;
	(tag) =	ssettag s2;
	_ =	strace s9  }
0x27: {  	s1 =	sld [smem:$0x3FAF]  }
0x28: {  	s2 =	sld [smem:$0x3FB0]  }
0x29: {  	s4 =	sld [smem:$0x3FB2]  }
0x2a: {  	p0 =	seq.s32 s5, $0x0;
	s5 =	sld [smem:$0x3FB3]  }
0x2b: {  	s6 =	sld [smem:$0x3FB4]  }
0x2c: {  	s7 =	sld [smem:$0x3FB5]  }
0x2d: {  	s3 =	simm.s32 $0x108;
	s8 =	sld [smem:$0x3FB6]  }
0x2e: {  	s3 =	simm.s32 @!p0 $0x1082;
	s9 =	sld [smem:$0x3FB7]  }
0x2f: {  	lr =	sadd.s32 s0, s3;
	s0 =	sld [smem:$0x3FAE]  }
0x30: {  	s3 =	sld [smem:$0x3FB1]  }
0x31: {  	[smem:$0x3FBA] =	sst s10  }
0x32: {  	s10 =	sld [smem:$0x3FB8];
	_ =	sdelay $0x3  }
0x33: {  	p0 =	seq.s32 s10, $0x1;
	s10 =	sld [smem:$0x3FBA];
	_ =	sdelay $0x3  }
0x34: {  	[smem:$0x3FBA] =	sst s10  }
0x35: {  	s10 =	sld [smem:$0x3FB9];
	_ =	sdelay $0x3  }
0x36: {  	p1 =	seq.s32 s10, $0x1;
	s10 =	sld [smem:$0x3FBA];
	_ =	sdelay $0x3  }
0x37: {  	[smem:$0x3FBA] =	sst s10  }
0x38: {  	s10 =	sld [smem:$0x3FBB]  }
0x39: {  	_ = 	snop;
	(pc) =	sbr.ind lr, $3  }
0x3a: {  	_ = 	snop  }
0x3b: {  	_ = 	snop  }
0x3c: {  	p2 =	seq.s32 s10, $0x1;
	s10 =	sld [smem:$0x3FBA]  }
0x3d: {  	_ =	shalt  }
0x3e: {  	_ =	shalt  }
0x3f: {  	_ =	shalt  }
0x40: {  	_ =	shalt  }
0x41: {  	_ =	shalt  }
0x42: {  	_ =	shalt  }
0x43: {  	_ =	shalt  }
0x44: {  	_ =	shalt  }
0x45: {  	_ =	shalt  }
0x46: {  	_ =	shalt  }
0x47: {  	_ =	shalt  }
0x48: {  	_ =	shalt  }
0x49: {  	_ =	shalt  }
0x4a: {  	_ =	shalt  }
0x4b: {  	_ =	shalt  }
0x4c: {  	_ =	shalt  }
0x4d: {  	_ =	shalt  }
0x4e: {  	_ =	shalt  }
0x4f: {  	_ =	shalt  }
0x50: {  	_ =	shalt  }
0x51: {  	_ =	shalt  }
0x52: {  	_ =	shalt  }
0x53: {  	_ =	shalt  }
0x54: {  	_ =	shalt  }
0x55: {  	_ =	shalt  }
0x56: {  	_ =	shalt  }
0x57: {  	_ =	shalt  }
0x58: {  	_ =	shalt  }
0x59: {  	_ =	shalt  }
0x5a: {  	_ =	shalt  }
0x5b: {  	_ =	shalt  }
0x5c: {  	_ =	shalt  }
0x5d: {  	_ =	shalt  }
0x5e: {  	_ =	shalt  }
0x5f: {  	_ =	shalt  }
0x60: {  	_ =	shalt  }
0x61: {  	_ =	shalt  }
0x62: {  	_ =	shalt  }
0x63: {  	_ =	shalt  }
0x64: {  	_ =	shalt  }
0x65: {  	_ =	shalt  }
0x66: {  	_ =	shalt  }
0x67: {  	_ =	shalt  }
0x68: {  	_ =	shalt  }
0x69: {  	_ =	shalt  }
0x6a: {  	_ =	shalt  }
0x6b: {  	_ =	shalt  }
0x6c: {  	_ =	shalt  }
0x6d: {  	_ =	shalt  }
0x6e: {  	_ =	shalt  }
0x6f: {  	_ =	shalt  }
0x70: {  	_ =	shalt  }
0x71: {  	_ =	shalt  }
0x72: {  	_ =	shalt  }
0x73: {  	_ =	shalt  }
0x74: {  	_ =	shalt  }
0x75: {  	_ =	shalt  }
0x76: {  	_ =	shalt  }
0x77: {  	_ =	shalt  }
0x78: {  	_ =	shalt  }
0x79: {  	_ =	shalt  }
0x7a: {  	_ =	shalt  }
0x7b: {  	_ =	shalt  }
0x7c: {  	_ =	shalt  }
0x7d: {  	_ =	shalt  }
0x7e: {  	_ =	shalt  }
0x7f: {  	_ =	shalt  }
0x80: {  	_ =	shalt  }
0x81: {  	_ =	shalt  }
0x82: {  	_ =	shalt  }
0x83: {  	_ =	shalt  }
0x84: {  	_ =	shalt  }
0x85: {  	_ =	shalt  }
0x86: {  	_ =	shalt  }
0x87: {  	_ =	shalt  }
.Lfunc_end0:
.L_simem_size_0:
called_computation_lowered:
.L_overlay_start_0:
0x88: {  	s2 =	sld [smem:$0x3FD9]  }
0x89: {  	s3 =	sld [smem:$0x3FFE];
	_ =	sdelay $0x1  }
0x8a: {  	s1 =	srdreg.scid  }
0x8b: {  	s0 =	sand.u32 $0x1, s1  }
0x8c: {  	s17 =	sshll.u32 s0, $0xA;
	s2 =	sadd.s32 s3, s2  }
0x8d: {  	s2 =	sadd.s32 s2, s17  }
0x8e: {  	[smem:$0x3FC6] =	sst s2  }
0x8f: {  	_ = 	snop  }
0x90: {  	s2 =	sld [smem:$0x3FD0];
	(tm) =	ssettm $0x1  }
0x91: {  	s18 =	sld [smem:$0x3FFB];
	_ =	sdelay $0x3  }
0x92: {  	_ =	strace s18  }
0x93: {  	s3 =	sld [smem:$0x3FFC];
	_ =	sdelay $0x3  }
0x94: {  	_ =	strace s3  }
0x95: {  	s3 =	sld [smem:$0x3FFD];
	_ =	sdelay $0x3  }
0x96: {  	_ =	strace s3  }
0x97: {  	_ =	strace $0x8FFFFFFF  }
0x98: {  	s19 =	sld [smem:$0x3FDB];
	_ =	sdelay $0x1  }
0x99: {  	s4 =	simm.s32 $_scs_section_size  }
0x9a: {  	s5 =	simm.s32 $_size__tile_overlayer_lowered;
	s6 =	simm.s32 $_tile_overlayer_lowered  }
0x9b: {  	s22 =	simm.s32 $0x1BFF;
	s21 =	sshll.u32 s6, $0x1;
	s3 =	sadd.s32 s4, s19  }
0x9c: {  	s7 =	simm.s32 $0x0;
	s20 =	sshll.u32 s5, $0x1;
	s5 =	sadd.s32 s21, s3  }
0x9d: {  	[timem:s7], [sflag:s22] =	dma.local [hbm:s5], s20  }
0x9e: {  	_ =	swait.ge [sflag:s22], s20  }
0x9f: {  	s4 =	ssub.s32 $0x0, s20;
	[sflag:s22] =	ssyncset.done $0x0  }
0xa0: {  	[sflag:s22] =	ssyncadd.s32 s4;
	_ =	sdelay $0x1  }
0xa1: {  	s23 =	simm.s32 $0x1B8B  }
0xa2: {  	_ =	swait.ge [sflag:s23], $0x1  }
0xa3: {  	[sflag:s23] =	ssyncset.done $0x0  }
0xa4: {  	s25 =	simm.s32 $0x1B8E;
	s24 =	sld [smem:$0x3FFE];
	[sflag:s23] =	ssyncadd.s32 $0xFFFFFFFF  }
0xa5: {  	s26 =	simm.s32 $execute0_lowered;
	[smem:$0x3FD2] =	sst s25  }
0xa6: {  	s5 =	sshll.u32 s26, $0x1;
	_ =	strace $0x80000046;
	[dreg:$0x1] =	wrdreg $0xFFFFFFFF  }
0xa7: {  	s28 =	simm.s32 $_size_execute0_lowered;
	s3 =	sadd.s32 s3, s5;
	[dreg:$0x0] =	wrdreg $0x0  }
0xa8: {  	s5 =	sshll.u32 s28, $0x1;
	[dreg:$0x2] =	wrdreg s3  }
0xa9: {  	[dreg:$0x3] =	wrdreg s5  }
0xaa: {  	[dreg:$0x4] =	wrdreg $0xC0  }
0xab: {  	_ =	task [dreg:s7], $0x5FFFF  }
0xac: {  	[dreg:$0x1] =	wrdreg $0xFFFFFFFF  }
0xad: {  	[dreg:$0x0] =	wrdreg $0x60  }
0xae: {  	[dreg:$0x2] =	wrdreg s2  }
0xaf: {  	[dreg:$0x3] =	wrdreg s24  }
0xb0: {  	[dreg:$0x4] =	wrdreg $0x9  }
0xb1: {  	_ =	task.clear_ibuf [dreg:s7], $0x5FFFF;
	_ =	strace $0x90000046  }
0xb2: {  	s29 =	simm.s32 $0x9;
	_ =	strace $0x80000048  }
0xb3: {  	_ =	swait.ge [sflag:s29], $0x1  }
0xb4: {  	[sflag:s29] =	ssyncadd.s32 $0xFFFFFFFF  }
0xb5: {  	_ =	strace $0x90000048  }
0xb6: {  	_ =	sfence  }
0xb7: {  	s30 =	sld [smem:$0x0];
	_ =	sdelay $0x2  }
0xb8: {  	s31 =	sshll.u32 s1, $0xD;
	s1 =	sshrl.u32 s1, $0x2  }
0xb9: {  	s3 =	sand.u32 $0x4000, s31;
	s1 =	sadd.s32 s1, s30  }
0xba: {  	s0 =	sor.u32 s3, s0;
	s1 =	sshll.u32 s1, $0x11  }
0xbb: {  	s0 =	sor.u32 s1, s0  }
0xbc: {  	s0 =	sadd.s32 $0x8F2B, s0  }
0xbd: {  	[sflag:s0] =	ssyncadd.remote.s32 $0x1  }
0xbe: {  	_ =	sfence.sel $0xFFFF  }
0xbf: {  	[dreg:$0x0] =	wrdreg $0xFFFFFFFF;
	(pc) =	sbr.abs _section_cstart, $3  }
0xc0: {  	[dreg:$0x1] =	wrdreg $0xFFFFFFFF  }
0xc1: {  	_ =	task.clear_ibuf [dreg:s7], $0x2FFFF;
	_ =	strace $0x9FFFFFFF  }
0xc2: {  	(tm) =	ssettm $0x7FFFFFFF  }
0xc3: {  	_ =	shalt  }
tec
execute0_lowered:
.L_overlay_start_1:
0x0: {  	(tag) =	ssettag $0x1  }
0x1: {  	s1 =	srdreg.scid;
	s0 =	stileid.u32  }
0x2: {  	s1 =	sand.u32 $0x1, s1;
	s3 =	sshll.u32 s0, $0x1  }
0x3: {  	s2 =	rddreg [dreg:$0x0];
	s5 =	sor.u32 s1, s3  }
0x4: {  	s4 =	rddreg [dreg:$0x1];
	s6 =	smul.u32 $0x320, s5  }
0x5: {  	s8 =	sadd.s32 $0x6800, s4;
	s3 =	simm.s32 $0x0;
	s7 =	smul.u32 $0x1C000, s5  }
0x6: {  	[smem:$0x7FF] =	sst s3;
	s5 =	smul.u32 $0xE0000, s5;
	s6 =	sadd.s32 s6, s4  }
0x7: {  	_ =	strace $0x80000047;
	s4 =	sadd.s32 s8, s7;
	s6 =	sadd.s32 $0x400, s6  }
0x8: {  	s5 =	sshrl.u32 s5, $0x3;
	s15 =	sadd.s32 $0x1C00, s4;
	[dreg:$0x3] =	wrdreg s6  }
0x9: {  	s16 =	sadd.s32 $0x3800, s4;
	s31 =	sadd.s32 s8, s5;
	[dreg:$0x4] =	wrdreg s15  }
0xa: {  	[dreg:$0x5] =	wrdreg s16;
	s5 =	sadd.s32 $0x5400, s31  }
0xb: {  	s17 =	sadd.s32 $0x7000, s31;
	[dreg:$0x6] =	wrdreg s5  }
0xc: {  	s18 =	sadd.s32 $0x8C00, s31;
	[dreg:$0x7] =	wrdreg s17  }
0xd: {  	s19 =	sadd.s32 $0xA800, s31;
	[dreg:$0x8] =	wrdreg s18  }
0xe: {  	s20 =	sadd.s32 $0xC400, s31;
	[dreg:$0x9] =	wrdreg s19  }
0xf: {  	s21 =	sadd.s32 $0xE000, s31;
	[dreg:$0xa] =	wrdreg s20  }
0x10: {  	s22 =	sadd.s32 $0xFC00, s31;
	[dreg:$0xb] =	wrdreg s21  }
0x11: {  	s23 =	sadd.s32 $0x11800, s31;
	[dreg:$0xc] =	wrdreg s22  }
0x12: {  	[dreg:$0xd] =	wrdreg s23  }
0x13: {  	s24 =	sadd.s32 $0x13400, s31;
	s25 =	rddreg [dreg:$0x3]  }
0x14: {  	s26 =	sadd.s32 $0x15000, s31;
	[dreg:$0xe] =	wrdreg s24  }
0x15: {  	[dreg:$0xf] =	wrdreg s26;
	s5 =	simm.s32 $0x5  }
0x16: {  	[tilespmem:s3], [sflag:$0x5] =	stream.linear.gather [hbm4b:s25+s3], $0x1900, $0x38;
	[tilespmem:$0x1A900] =	vst v63  }
0x17: {  	_ =	swait.ge [sflag:s5], $0x1900  }
0x18: {  	[sflag:s5] =	ssyncset.done $0x0  }
0x19: {  	s7 =	simm.s32 $0x1900;
	s6 =	simm.s32 $0x190;
	[sflag:s5] =	ssyncadd.s32 $0xFFFFE700  }
0x1a: {  	[tilespmem:s7], [sflag:$0x1] =	stream.indirect.gather [hbm4b:s2+s6], $0x80, s3, s6, $0xb8;
	[tilespmem:$0x1A900] =	vst v63  }
0x1b: {  	s9 =	simm.s32 $0x1;
	s8 =	simm.s32 $0xE100  }
0x1c: {  	[tilespmem:s8], [sflag:$0x2] =	stream.indirect.gather [hbm4b:s2+s6], $0x80, s6, s6, $0xb8;
	[tilespmem:$0x1A900] =	vst v63  }
0x1d: {  	_ =	swait.ge [sflag:s9], $0xC800  }
0x1e: {  	[sflag:s9] =	ssyncset.done $0x0  }
0x1f: {  	s10 =	simm.s32 $0x1C00;
	s11 =	simm.s32 $0x3;
	[sflag:s9] =	ssyncadd.s32 $0xFFFF3800  }
0x20: {  	[hbm4b:s4+s7] =	stream.strided.scatter [tilespmem:s7], [sflag:$0x3], $0xC800, s10, s7, $0x38;
	[tilespmem:$0x1A900] =	vst v63  }
0x21: {  	_ =	swait.ge [sflag:s11], $0xC800  }
0x22: {  	[sflag:s11] =	ssyncset.done $0x0  }
0x23: {  	s12 =	simm.s32 $0x320;
	s13 =	simm.s32 $0x2;
	[sflag:s11] =	ssyncadd.s32 $0xFFFF3800  }
0x24: {  	[tilespmem:s7], [sflag:$0x1] =	stream.indirect.gather [hbm4b:s2+s6], $0x80, s12, s6, $0xb8;
	[tilespmem:$0x1A900] =	vst v63  }
0x25: {  	_ =	swait.ge [sflag:s13], $0xC800  }
0x26: {  	[sflag:s13] =	ssyncset.done $0x0  }
0x27: {  	s14 =	simm.s32 $0x4;
	s15 =	rddreg [dreg:$0x4];
	[sflag:s13] =	ssyncadd.s32 $0xFFFF3800  }
0x28: {  	[hbm4b:s15+s7] =	stream.strided.scatter [tilespmem:s8], [sflag:$0x4], $0xC800, s10, s7, $0x38;
	[tilespmem:$0x1A900] =	vst v63  }
0x29: {  	_ =	swait.ge [sflag:s14], $0xC800  }
0x2a: {  	[sflag:s14] =	ssyncset.done $0x0  }
0x2b: {  	s15 =	simm.s32 $0x4B0;
	[sflag:s14] =	ssyncadd.s32 $0xFFFF3800  }
0x2c: {  	[tilespmem:s8], [sflag:$0x2] =	stream.indirect.gather [hbm4b:s2+s6], $0x80, s15, s6, $0xb8;
	[tilespmem:$0x1A900] =	vst v63  }
0x2d: {  	_ =	swait.ge [sflag:s9], $0xC800  }
0x2e: {  	[sflag:s9] =	ssyncset.done $0x0  }
0x2f: {  	s16 =	rddreg [dreg:$0x5];
	[sflag:s9] =	ssyncadd.s32 $0xFFFF3800  }
0x30: {  	[hbm4b:s16+s7] =	stream.strided.scatter [tilespmem:s7], [sflag:$0x3], $0xC800, s10, s7, $0x38;
	[tilespmem:$0x1A900] =	vst v63  }
0x31: {  	_ =	swait.ge [sflag:s11], $0xC800  }
0x32: {  	[sflag:s11] =	ssyncset.done $0x0  }
0x33: {  	s16 =	simm.s32 $0x640;
	[sflag:s11] =	ssyncadd.s32 $0xFFFF3800  }
0x34: {  	[tilespmem:s7], [sflag:$0x1] =	stream.indirect.gather [hbm4b:s2+s6], $0x80, s16, s6, $0xb8;
	[tilespmem:$0x1A900] =	vst v63  }
0x35: {  	_ =	swait.ge [sflag:s13], $0xC800  }
0x36: {  	[sflag:s13] =	ssyncset.done $0x0  }
0x37: {  	s17 =	rddreg [dreg:$0x6];
	[sflag:s13] =	ssyncadd.s32 $0xFFFF3800  }
0x38: {  	[hbm4b:s17+s7] =	stream.strided.scatter [tilespmem:s8], [sflag:$0x4], $0xC800, s10, s7, $0x38;
	[tilespmem:$0x1A900] =	vst v63  }
0x39: {  	_ =	swait.ge [sflag:s14], $0xC800  }
0x3a: {  	[sflag:s14] =	ssyncset.done $0x0  }
0x3b: {  	s17 =	simm.s32 $0x7D0;
	[sflag:s14] =	ssyncadd.s32 $0xFFFF3800  }
0x3c: {  	[tilespmem:s8], [sflag:$0x2] =	stream.indirect.gather [hbm4b:s2+s6], $0x80, s17, s6, $0xb8;
	[tilespmem:$0x1A900] =	vst v63  }
0x3d: {  	_ =	swait.ge [sflag:s9], $0xC800  }
0x3e: {  	[sflag:s9] =	ssyncset.done $0x0  }
0x3f: {  	s18 =	rddreg [dreg:$0x7];
	[sflag:s9] =	ssyncadd.s32 $0xFFFF3800  }
0x40: {  	[hbm4b:s18+s7] =	stream.strided.scatter [tilespmem:s7], [sflag:$0x3], $0xC800, s10, s7, $0x38;
	[tilespmem:$0x1A900] =	vst v63  }
0x41: {  	_ =	swait.ge [sflag:s11], $0xC800  }
0x42: {  	[sflag:s11] =	ssyncset.done $0x0  }
0x43: {  	s18 =	simm.s32 $0x960;
	[sflag:s11] =	ssyncadd.s32 $0xFFFF3800  }
0x44: {  	[tilespmem:s7], [sflag:$0x1] =	stream.indirect.gather [hbm4b:s2+s6], $0x80, s18, s6, $0xb8;
	[tilespmem:$0x1A900] =	vst v63  }
0x45: {  	_ =	swait.ge [sflag:s13], $0xC800  }
0x46: {  	[sflag:s13] =	ssyncset.done $0x0  }
0x47: {  	s19 =	rddreg [dreg:$0x8];
	[sflag:s13] =	ssyncadd.s32 $0xFFFF3800  }
0x48: {  	[hbm4b:s19+s7] =	stream.strided.scatter [tilespmem:s8], [sflag:$0x4], $0xC800, s10, s7, $0x38;
	[tilespmem:$0x1A900] =	vst v63  }
0x49: {  	_ =	swait.ge [sflag:s14], $0xC800  }
0x4a: {  	[sflag:s14] =	ssyncset.done $0x0  }
0x4b: {  	s19 =	simm.s32 $0xAF0;
	[sflag:s14] =	ssyncadd.s32 $0xFFFF3800  }
0x4c: {  	[tilespmem:s8], [sflag:$0x2] =	stream.indirect.gather [hbm4b:s2+s6], $0x80, s19, s6, $0xb8;
	[tilespmem:$0x1A900] =	vst v63  }
0x4d: {  	_ =	swait.ge [sflag:s9], $0xC800  }
0x4e: {  	[sflag:s9] =	ssyncset.done $0x0  }
0x4f: {  	s20 =	rddreg [dreg:$0x9];
	[sflag:s9] =	ssyncadd.s32 $0xFFFF3800  }
0x50: {  	[hbm4b:s20+s7] =	stream.strided.scatter [tilespmem:s7], [sflag:$0x3], $0xC800, s10, s7, $0x38;
	[tilespmem:$0x1A900] =	vst v63  }
0x51: {  	_ =	swait.ge [sflag:s11], $0xC800  }
0x52: {  	[sflag:s11] =	ssyncset.done $0x0  }
0x53: {  	s20 =	simm.s32 $0xC80;
	[sflag:s11] =	ssyncadd.s32 $0xFFFF3800  }
0x54: {  	[tilespmem:s7], [sflag:$0x1] =	stream.indirect.gather [hbm4b:s2+s6], $0x80, s20, s6, $0xb8;
	[tilespmem:$0x1A900] =	vst v63  }
0x55: {  	_ =	swait.ge [sflag:s13], $0xC800  }
0x56: {  	[sflag:s13] =	ssyncset.done $0x0  }
0x57: {  	s21 =	rddreg [dreg:$0xa];
	[sflag:s13] =	ssyncadd.s32 $0xFFFF3800  }
0x58: {  	[hbm4b:s21+s7] =	stream.strided.scatter [tilespmem:s8], [sflag:$0x4], $0xC800, s10, s7, $0x38;
	[tilespmem:$0x1A900] =	vst v63  }
0x59: {  	_ =	swait.ge [sflag:s14], $0xC800  }
0x5a: {  	[sflag:s14] =	ssyncset.done $0x0  }
0x5b: {  	s21 =	simm.s32 $0xE10;
	[sflag:s14] =	ssyncadd.s32 $0xFFFF3800  }
0x5c: {  	[tilespmem:s8], [sflag:$0x2] =	stream.indirect.gather [hbm4b:s2+s6], $0x80, s21, s6, $0xb8;
	[tilespmem:$0x1A900] =	vst v63  }
0x5d: {  	_ =	swait.ge [sflag:s9], $0xC800  }
0x5e: {  	[sflag:s9] =	ssyncset.done $0x0  }
0x5f: {  	s22 =	rddreg [dreg:$0xb];
	[sflag:s9] =	ssyncadd.s32 $0xFFFF3800  }
0x60: {  	[hbm4b:s22+s7] =	stream.strided.scatter [tilespmem:s7], [sflag:$0x3], $0xC800, s10, s7, $0x38;
	[tilespmem:$0x1A900] =	vst v63  }
0x61: {  	_ =	swait.ge [sflag:s11], $0xC800  }
0x62: {  	[sflag:s11] =	ssyncset.done $0x0  }
0x63: {  	s22 =	simm.s32 $0xFA0;
	[sflag:s11] =	ssyncadd.s32 $0xFFFF3800  }
0x64: {  	[tilespmem:s7], [sflag:$0x1] =	stream.indirect.gather [hbm4b:s2+s6], $0x80, s22, s6, $0xb8;
	[tilespmem:$0x1A900] =	vst v63  }
0x65: {  	_ =	swait.ge [sflag:s13], $0xC800  }
0x66: {  	[sflag:s13] =	ssyncset.done $0x0  }
0x67: {  	s23 =	rddreg [dreg:$0xc];
	[sflag:s13] =	ssyncadd.s32 $0xFFFF3800  }
0x68: {  	[hbm4b:s23+s7] =	stream.strided.scatter [tilespmem:s8], [sflag:$0x4], $0xC800, s10, s7, $0x38;
	[tilespmem:$0x1A900] =	vst v63  }
0x69: {  	_ =	swait.ge [sflag:s14], $0xC800  }
0x6a: {  	[sflag:s14] =	ssyncset.done $0x0  }
0x6b: {  	s23 =	simm.s32 $0x1130;
	[sflag:s14] =	ssyncadd.s32 $0xFFFF3800  }
0x6c: {  	[tilespmem:s8], [sflag:$0x2] =	stream.indirect.gather [hbm4b:s2+s6], $0x80, s23, s6, $0xb8;
	[tilespmem:$0x1A900] =	vst v63  }
0x6d: {  	_ =	swait.ge [sflag:s9], $0xC800  }
0x6e: {  	[sflag:s9] =	ssyncset.done $0x0  }
0x6f: {  	s24 =	rddreg [dreg:$0xd];
	[sflag:s9] =	ssyncadd.s32 $0xFFFF3800  }
0x70: {  	[hbm4b:s24+s7] =	stream.strided.scatter [tilespmem:s7], [sflag:$0x3], $0xC800, s10, s7, $0x38;
	[tilespmem:$0x1A900] =	vst v63  }
0x71: {  	_ =	swait.ge [sflag:s11], $0xC800  }
0x72: {  	[sflag:s11] =	ssyncset.done $0x0  }
0x73: {  	s24 =	simm.s32 $0x12C0;
	[sflag:s11] =	ssyncadd.s32 $0xFFFF3800  }
0x74: {  	[tilespmem:s7], [sflag:$0x1] =	stream.indirect.gather [hbm4b:s2+s6], $0x80, s24, s6, $0xb8;
	[tilespmem:$0x1A900] =	vst v63  }
0x75: {  	_ =	swait.ge [sflag:s13], $0xC800  }
0x76: {  	[sflag:s13] =	ssyncset.done $0x0  }
0x77: {  	s25 =	rddreg [dreg:$0xe];
	[sflag:s13] =	ssyncadd.s32 $0xFFFF3800  }
0x78: {  	[hbm4b:s25+s7] =	stream.strided.scatter [tilespmem:s8], [sflag:$0x4], $0xC800, s10, s7, $0x38;
	[tilespmem:$0x1A900] =	vst v63  }
0x79: {  	_ =	swait.ge [sflag:s14], $0xC800  }
0x7a: {  	[sflag:s14] =	ssyncset.done $0x0  }
0x7b: {  	s25 =	simm.s32 $0x1450;
	[sflag:s14] =	ssyncadd.s32 $0xFFFF3800  }
0x7c: {  	[tilespmem:s8], [sflag:$0x2] =	stream.indirect.gather [hbm4b:s2+s6], $0x80, s25, s6, $0xb8;
	[tilespmem:$0x1A900] =	vst v63  }
0x7d: {  	_ =	swait.ge [sflag:s9], $0xC800  }
0x7e: {  	[sflag:s9] =	ssyncset.done $0x0  }
0x7f: {  	s26 =	rddreg [dreg:$0xf];
	[sflag:s9] =	ssyncadd.s32 $0xFFFF3800  }
0x80: {  	[hbm4b:s26+s7] =	stream.strided.scatter [tilespmem:s7], [sflag:$0x3], $0xC800, s10, s7, $0x38;
	[tilespmem:$0x1A900] =	vst v63  }
0x81: {  	_ =	swait.ge [sflag:s11], $0xC800  }
0x82: {  	[sflag:s11] =	ssyncset.done $0x0  }
0x83: {  	s26 =	simm.s32 $0x15E0;
	[sflag:s11] =	ssyncadd.s32 $0xFFFF3800  }
0x84: {  	[tilespmem:s7], [sflag:$0x1] =	stream.indirect.gather [hbm4b:s2+s6], $0x80, s26, s6, $0xb8;
	[tilespmem:$0x1A900] =	vst v63  }
0x85: {  	_ =	swait.ge [sflag:s13], $0xC800  }
0x86: {  	[sflag:s13] =	ssyncset.done $0x0  }
0x87: {  	s28 =	sadd.s32 $0x16C00, s31;
	[sflag:s13] =	ssyncadd.s32 $0xFFFF3800  }
0x88: {  	[hbm4b:s28+s7] =	stream.strided.scatter [tilespmem:s8], [sflag:$0x4], $0xC800, s10, s7, $0x38;
	[tilespmem:$0x1A900] =	vst v63  }
0x89: {  	_ =	swait.ge [sflag:s14], $0xC800  }
0x8a: {  	[sflag:s14] =	ssyncset.done $0x0  }
0x8b: {  	s29 =	simm.s32 $0x1770;
	[sflag:s14] =	ssyncadd.s32 $0xFFFF3800  }
0x8c: {  	[tilespmem:s8], [sflag:$0x2] =	stream.indirect.gather [hbm4b:s2+s6], $0x80, s29, s6, $0xb8;
	[tilespmem:$0x1A900] =	vst v63  }
0x8d: {  	_ =	swait.ge [sflag:s9], $0xC800  }
0x8e: {  	s1 =	ssub.s32 $0x2, s1;
	[sflag:s9] =	ssyncset.done $0x0  }
0x8f: {  	s0 =	sshrl.u32 s1, $0x1;
	s30 =	sadd.s32 $0x18800, s31;
	[sflag:s9] =	ssyncadd.s32 $0xFFFF3800  }
0x90: {  	[hbm4b:s30+s7] =	stream.strided.scatter [tilespmem:s7], [sflag:$0x3], $0xC800, s10, s7, $0x38;
	[tilespmem:$0x1A900] =	vst v63  }
0x91: {  	s0 =	ssub.s32 s1, s0;
	_ =	swait.ge [sflag:s11], $0xC800  }
0x92: {  	s0 =	smax.u32 s0, $0x1;
	[sflag:s11] =	ssyncset.done $0x0  }
0x93: {  	p0 =	sne.s32 s0, $0x1;
	[sflag:s11] =	ssyncadd.s32 $0xFFFF3800  }
.Ltmp0:
0x94: {  	_ =	swait.ge [sflag:s13], $0xC800;
	(pc) =	sbr.rel @!p0 .LBB2_2-.Ltmp0, $4  }
0x95: {  	[sflag:s13] =	ssyncset.done $0x0  }
0x96: {  	s31 =	sadd.s32 $0x1A400, s31;
	[sflag:s13] =	ssyncadd.s32 $0xFFFF3800  }
0x97: {  	[hbm4b:s31+s7] =	stream.strided.scatter [tilespmem:s8], [sflag:$0x4], $0xC800, s10, s7, $0x38;
	[tilespmem:$0x1A900] =	vst v63  }
0x98: {  	s1 =	sadd.s32 $0xFFFFFFFF, s0;
	_ =	swait.ge [sflag:s14], $0xC800  }
.LBB2_1:
0x99: {  	[sflag:s14] =	ssyncset.done $0x0  }
0x9a: {  	s0 =	rddreg [dreg:$0x3];
	[sflag:s14] =	ssyncadd.s32 $0xFFFF3800  }
0x9b: {  	[tilespmem:s3], [sflag:$0x5] =	stream.linear.gather [hbm4b:s0+s3], $0x1900, $0x38;
	[tilespmem:$0x1A900] =	vst v63  }
0x9c: {  	_ =	swait.ge [sflag:s5], $0x1900  }
0x9d: {  	[sflag:s5] =	ssyncset.done $0x0  }
0x9e: {  	[sflag:s5] =	ssyncadd.s32 $0xFFFFE700  }
0x9f: {  	[tilespmem:s7], [sflag:$0x1] =	stream.indirect.gather [hbm4b:s2+s6], $0x80, s3, s6, $0xb8;
	[tilespmem:$0x1A900] =	vst v63  }
0xa0: {  	_ = 	snop  }
0xa1: {  	[tilespmem:s8], [sflag:$0x2] =	stream.indirect.gather [hbm4b:s2+s6], $0x80, s6, s6, $0xb8;
	[tilespmem:$0x1A900] =	vst v63  }
0xa2: {  	_ =	swait.ge [sflag:s9], $0xC800  }
0xa3: {  	[sflag:s9] =	ssyncset.done $0x0  }
0xa4: {  	[sflag:s9] =	ssyncadd.s32 $0xFFFF3800  }
0xa5: {  	[hbm4b:s4+s7] =	stream.strided.scatter [tilespmem:s7], [sflag:$0x3], $0xC800, s10, s7, $0x38;
	[tilespmem:$0x1A900] =	vst v63  }
0xa6: {  	_ =	swait.ge [sflag:s11], $0xC800  }
0xa7: {  	[sflag:s11] =	ssyncset.done $0x0  }
0xa8: {  	[sflag:s11] =	ssyncadd.s32 $0xFFFF3800  }
0xa9: {  	[tilespmem:s7], [sflag:$0x1] =	stream.indirect.gather [hbm4b:s2+s6], $0x80, s12, s6, $0xb8;
	[tilespmem:$0x1A900] =	vst v63  }
0xaa: {  	_ =	swait.ge [sflag:s13], $0xC800  }
0xab: {  	[sflag:s13] =	ssyncset.done $0x0  }
0xac: {  	s0 =	rddreg [dreg:$0x4];
	[sflag:s13] =	ssyncadd.s32 $0xFFFF3800  }
0xad: {  	[hbm4b:s0+s7] =	stream.strided.scatter [tilespmem:s8], [sflag:$0x4], $0xC800, s10, s7, $0x38;
	[tilespmem:$0x1A900] =	vst v63  }
0xae: {  	_ =	swait.ge [sflag:s14], $0xC800  }
0xaf: {  	[sflag:s14] =	ssyncset.done $0x0  }
0xb0: {  	[sflag:s14] =	ssyncadd.s32 $0xFFFF3800  }
0xb1: {  	[tilespmem:s8], [sflag:$0x2] =	stream.indirect.gather [hbm4b:s2+s6], $0x80, s15, s6, $0xb8;
	[tilespmem:$0x1A900] =	vst v63  }
0xb2: {  	_ =	swait.ge [sflag:s9], $0xC800  }
0xb3: {  	[sflag:s9] =	ssyncset.done $0x0  }
0xb4: {  	s0 =	rddreg [dreg:$0x5];
	[sflag:s9] =	ssyncadd.s32 $0xFFFF3800  }
0xb5: {  	[hbm4b:s0+s7] =	stream.strided.scatter [tilespmem:s7], [sflag:$0x3], $0xC800, s10, s7, $0x38;
	[tilespmem:$0x1A900] =	vst v63  }
0xb6: {  	_ =	swait.ge [sflag:s11], $0xC800  }
0xb7: {  	[sflag:s11] =	ssyncset.done $0x0  }
0xb8: {  	[sflag:s11] =	ssyncadd.s32 $0xFFFF3800  }
0xb9: {  	[tilespmem:s7], [sflag:$0x1] =	stream.indirect.gather [hbm4b:s2+s6], $0x80, s16, s6, $0xb8;
	[tilespmem:$0x1A900] =	vst v63  }
0xba: {  	_ =	swait.ge [sflag:s13], $0xC800  }
0xbb: {  	[sflag:s13] =	ssyncset.done $0x0  }
0xbc: {  	s0 =	rddreg [dreg:$0x6];
	[sflag:s13] =	ssyncadd.s32 $0xFFFF3800  }
0xbd: {  	[hbm4b:s0+s7] =	stream.strided.scatter [tilespmem:s8], [sflag:$0x4], $0xC800, s10, s7, $0x38;
	[tilespmem:$0x1A900] =	vst v63  }
0xbe: {  	_ =	swait.ge [sflag:s14], $0xC800  }
0xbf: {  	[sflag:s14] =	ssyncset.done $0x0  }
0xc0: {  	[sflag:s14] =	ssyncadd.s32 $0xFFFF3800  }
0xc1: {  	[tilespmem:s8], [sflag:$0x2] =	stream.indirect.gather [hbm4b:s2+s6], $0x80, s17, s6, $0xb8;
	[tilespmem:$0x1A900] =	vst v63  }
0xc2: {  	_ =	swait.ge [sflag:s9], $0xC800  }
0xc3: {  	[sflag:s9] =	ssyncset.done $0x0  }
0xc4: {  	s0 =	rddreg [dreg:$0x7];
	[sflag:s9] =	ssyncadd.s32 $0xFFFF3800  }
0xc5: {  	[hbm4b:s0+s7] =	stream.strided.scatter [tilespmem:s7], [sflag:$0x3], $0xC800, s10, s7, $0x38;
	[tilespmem:$0x1A900] =	vst v63  }
0xc6: {  	_ =	swait.ge [sflag:s11], $0xC800  }
0xc7: {  	[sflag:s11] =	ssyncset.done $0x0  }
0xc8: {  	[sflag:s11] =	ssyncadd.s32 $0xFFFF3800  }
0xc9: {  	[tilespmem:s7], [sflag:$0x1] =	stream.indirect.gather [hbm4b:s2+s6], $0x80, s18, s6, $0xb8;
	[tilespmem:$0x1A900] =	vst v63  }
0xca: {  	_ =	swait.ge [sflag:s13], $0xC800  }
0xcb: {  	[sflag:s13] =	ssyncset.done $0x0  }
0xcc: {  	s0 =	rddreg [dreg:$0x8];
	[sflag:s13] =	ssyncadd.s32 $0xFFFF3800  }
0xcd: {  	[hbm4b:s0+s7] =	stream.strided.scatter [tilespmem:s8], [sflag:$0x4], $0xC800, s10, s7, $0x38;
	[tilespmem:$0x1A900] =	vst v63  }
0xce: {  	_ =	swait.ge [sflag:s14], $0xC800  }
0xcf: {  	[sflag:s14] =	ssyncset.done $0x0  }
0xd0: {  	[sflag:s14] =	ssyncadd.s32 $0xFFFF3800  }
0xd1: {  	[tilespmem:s8], [sflag:$0x2] =	stream.indirect.gather [hbm4b:s2+s6], $0x80, s19, s6, $0xb8;
	[tilespmem:$0x1A900] =	vst v63  }
0xd2: {  	_ =	swait.ge [sflag:s9], $0xC800  }
0xd3: {  	[sflag:s9] =	ssyncset.done $0x0  }
0xd4: {  	s0 =	rddreg [dreg:$0x9];
	[sflag:s9] =	ssyncadd.s32 $0xFFFF3800  }
0xd5: {  	[hbm4b:s0+s7] =	stream.strided.scatter [tilespmem:s7], [sflag:$0x3], $0xC800, s10, s7, $0x38;
	[tilespmem:$0x1A900] =	vst v63  }
0xd6: {  	_ =	swait.ge [sflag:s11], $0xC800  }
0xd7: {  	[sflag:s11] =	ssyncset.done $0x0  }
0xd8: {  	[sflag:s11] =	ssyncadd.s32 $0xFFFF3800  }
0xd9: {  	[tilespmem:s7], [sflag:$0x1] =	stream.indirect.gather [hbm4b:s2+s6], $0x80, s20, s6, $0xb8;
	[tilespmem:$0x1A900] =	vst v63  }
0xda: {  	_ =	swait.ge [sflag:s13], $0xC800  }
0xdb: {  	[sflag:s13] =	ssyncset.done $0x0  }
0xdc: {  	s0 =	rddreg [dreg:$0xa];
	[sflag:s13] =	ssyncadd.s32 $0xFFFF3800  }
0xdd: {  	[hbm4b:s0+s7] =	stream.strided.scatter [tilespmem:s8], [sflag:$0x4], $0xC800, s10, s7, $0x38;
	[tilespmem:$0x1A900] =	vst v63  }
0xde: {  	_ =	swait.ge [sflag:s14], $0xC800  }
0xdf: {  	[sflag:s14] =	ssyncset.done $0x0  }
0xe0: {  	[sflag:s14] =	ssyncadd.s32 $0xFFFF3800  }
0xe1: {  	[tilespmem:s8], [sflag:$0x2] =	stream.indirect.gather [hbm4b:s2+s6], $0x80, s21, s6, $0xb8;
	[tilespmem:$0x1A900] =	vst v63  }
0xe2: {  	_ =	swait.ge [sflag:s9], $0xC800  }
0xe3: {  	[sflag:s9] =	ssyncset.done $0x0  }
0xe4: {  	s0 =	rddreg [dreg:$0xb];
	[sflag:s9] =	ssyncadd.s32 $0xFFFF3800  }
0xe5: {  	[hbm4b:s0+s7] =	stream.strided.scatter [tilespmem:s7], [sflag:$0x3], $0xC800, s10, s7, $0x38;
	[tilespmem:$0x1A900] =	vst v63  }
0xe6: {  	_ =	swait.ge [sflag:s11], $0xC800  }
0xe7: {  	[sflag:s11] =	ssyncset.done $0x0  }
0xe8: {  	[sflag:s11] =	ssyncadd.s32 $0xFFFF3800  }
0xe9: {  	[tilespmem:s7], [sflag:$0x1] =	stream.indirect.gather [hbm4b:s2+s6], $0x80, s22, s6, $0xb8;
	[tilespmem:$0x1A900] =	vst v63  }
0xea: {  	_ =	swait.ge [sflag:s13], $0xC800  }
0xeb: {  	[sflag:s13] =	ssyncset.done $0x0  }
0xec: {  	s0 =	rddreg [dreg:$0xc];
	[sflag:s13] =	ssyncadd.s32 $0xFFFF3800  }
0xed: {  	[hbm4b:s0+s7] =	stream.strided.scatter [tilespmem:s8], [sflag:$0x4], $0xC800, s10, s7, $0x38;
	[tilespmem:$0x1A900] =	vst v63  }
0xee: {  	_ =	swait.ge [sflag:s14], $0xC800  }
0xef: {  	[sflag:s14] =	ssyncset.done $0x0  }
0xf0: {  	[sflag:s14] =	ssyncadd.s32 $0xFFFF3800  }
0xf1: {  	[tilespmem:s8], [sflag:$0x2] =	stream.indirect.gather [hbm4b:s2+s6], $0x80, s23, s6, $0xb8;
	[tilespmem:$0x1A900] =	vst v63  }
0xf2: {  	_ =	swait.ge [sflag:s9], $0xC800  }
0xf3: {  	[sflag:s9] =	ssyncset.done $0x0  }
0xf4: {  	s0 =	rddreg [dreg:$0xd];
	[sflag:s9] =	ssyncadd.s32 $0xFFFF3800  }
0xf5: {  	[hbm4b:s0+s7] =	stream.strided.scatter [tilespmem:s7], [sflag:$0x3], $0xC800, s10, s7, $0x38;
	[tilespmem:$0x1A900] =	vst v63  }
0xf6: {  	_ =	swait.ge [sflag:s11], $0xC800  }
0xf7: {  	[sflag:s11] =	ssyncset.done $0x0  }
0xf8: {  	[sflag:s11] =	ssyncadd.s32 $0xFFFF3800  }
0xf9: {  	[tilespmem:s7], [sflag:$0x1] =	stream.indirect.gather [hbm4b:s2+s6], $0x80, s24, s6, $0xb8;
	[tilespmem:$0x1A900] =	vst v63  }
0xfa: {  	_ =	swait.ge [sflag:s13], $0xC800  }
0xfb: {  	[sflag:s13] =	ssyncset.done $0x0  }
0xfc: {  	s0 =	rddreg [dreg:$0xe];
	[sflag:s13] =	ssyncadd.s32 $0xFFFF3800  }
0xfd: {  	[hbm4b:s0+s7] =	stream.strided.scatter [tilespmem:s8], [sflag:$0x4], $0xC800, s10, s7, $0x38;
	[tilespmem:$0x1A900] =	vst v63  }
0xfe: {  	_ =	swait.ge [sflag:s14], $0xC800  }
0xff: {  	[sflag:s14] =	ssyncset.done $0x0  }
0x100: {  	[sflag:s14] =	ssyncadd.s32 $0xFFFF3800  }
0x101: {  	[tilespmem:s8], [sflag:$0x2] =	stream.indirect.gather [hbm4b:s2+s6], $0x80, s25, s6, $0xb8;
	[tilespmem:$0x1A900] =	vst v63  }
0x102: {  	_ =	swait.ge [sflag:s9], $0xC800  }
0x103: {  	[sflag:s9] =	ssyncset.done $0x0  }
0x104: {  	s0 =	rddreg [dreg:$0xf];
	[sflag:s9] =	ssyncadd.s32 $0xFFFF3800  }
0x105: {  	[hbm4b:s0+s7] =	stream.strided.scatter [tilespmem:s7], [sflag:$0x3], $0xC800, s10, s7, $0x38;
	[tilespmem:$0x1A900] =	vst v63  }
0x106: {  	_ =	swait.ge [sflag:s11], $0xC800  }
0x107: {  	[sflag:s11] =	ssyncset.done $0x0  }
0x108: {  	[sflag:s11] =	ssyncadd.s32 $0xFFFF3800  }
0x109: {  	[tilespmem:s7], [sflag:$0x1] =	stream.indirect.gather [hbm4b:s2+s6], $0x80, s26, s6, $0xb8;
	[tilespmem:$0x1A900] =	vst v63  }
0x10a: {  	_ =	swait.ge [sflag:s13], $0xC800  }
0x10b: {  	[sflag:s13] =	ssyncset.done $0x0  }
0x10c: {  	[sflag:s13] =	ssyncadd.s32 $0xFFFF3800  }
0x10d: {  	[hbm4b:s28+s7] =	stream.strided.scatter [tilespmem:s8], [sflag:$0x4], $0xC800, s10, s7, $0x38;
	[tilespmem:$0x1A900] =	vst v63  }
0x10e: {  	_ =	swait.ge [sflag:s14], $0xC800  }
0x10f: {  	[sflag:s14] =	ssyncset.done $0x0  }
0x110: {  	[sflag:s14] =	ssyncadd.s32 $0xFFFF3800  }
0x111: {  	[tilespmem:s8], [sflag:$0x2] =	stream.indirect.gather [hbm4b:s2+s6], $0x80, s29, s6, $0xb8;
	[tilespmem:$0x1A900] =	vst v63  }
0x112: {  	_ =	swait.ge [sflag:s9], $0xC800  }
0x113: {  	[sflag:s9] =	ssyncset.done $0x0  }
0x114: {  	[sflag:s9] =	ssyncadd.s32 $0xFFFF3800  }
0x115: {  	[hbm4b:s30+s7] =	stream.strided.scatter [tilespmem:s7], [sflag:$0x3], $0xC800, s10, s7, $0x38;
	[tilespmem:$0x1A900] =	vst v63  }
0x116: {  	_ =	swait.ge [sflag:s11], $0xC800  }
0x117: {  	[sflag:s11] =	ssyncset.done $0x0  }
0x118: {  	p0 =	sne.s32 s1, $0x1;
	[sflag:s11] =	ssyncadd.s32 $0xFFFF3800  }
.Ltmp1:
0x119: {  	_ =	swait.ge [sflag:s13], $0xC800;
	(pc) =	sbr.rel @p0 .LBB2_1-.Ltmp1, $4  }
0x11a: {  	[sflag:s13] =	ssyncset.done $0x0  }
0x11b: {  	[sflag:s13] =	ssyncadd.s32 $0xFFFF3800  }
0x11c: {  	[hbm4b:s31+s7] =	stream.strided.scatter [tilespmem:s8], [sflag:$0x4], $0xC800, s10, s7, $0x38;
	[tilespmem:$0x1A900] =	vst v63  }
0x11d: {  	s1 =	sadd.s32 $0xFFFFFFFF, s1;
	_ =	swait.ge [sflag:s14], $0xC800  }
.LBB2_2:
0x11e: {  	[sflag:s14] =	ssyncset.done $0x0  }
0x11f: {  	[sflag:s14] =	ssyncadd.s32 $0xFFFF3800  }
0x120: {  	_ =	sfence.sel $0x180000  }
0x121: {  	[bflag:$0x0] =	sbarrier.arrive $0xFFFF  }
0x122: {  	_ =	strace $0x90000047  }
0x123: {  	s0 =	stileid.u32;
	[bflag:$0x2] =	sbarrier.arrive $0xFFFF  }
0x124: {  	p0 =	sne.s32 s0, $0x0;
	s0 =	rddreg [dreg:$0x2]  }
0x125: {  	s0 =	sadd.s32 @!p0 $0x100000, s0  }
0x126: {  	[sflag:s0] =	ssyncadd.tile.s32 @!p0 $0x1;
	_ =	shalt  }
.Lfunc_end2:
_tile_overlayer_lowered:
.L_overlay_start_2:
0x127: {  	(tag) =	ssettag $0x2  }
0x128: {  	s0 =	rddreg [dreg:$0x0];
	s2 =	stileid.u32  }
0x129: {  	s1 =	rddreg [dreg:$0x1];
	p0 =	sne.s32 s2, $0x0  }
0x12a: {  	s3 =	rddreg [dreg:$0x2];
	[bflag:$0x3] =	sbarrier.arrive $0xFFFF;
	s2 =	simm.s32 @!p0 $0x1C05  }
0x12b: {  	[timem:s3], [sflag:s2] =	dma.local @!p0 [hbm:s0], s1  }
0x12c: {  	s0 =	simm.s32 @!p0 $0x5  }
0x12d: {  	_ =	swait.ge @!p0 [sflag:s0], s1  }
0x12e: {  	s1 =	ssub.s32 @!p0 $0x0, s1;
	[sflag:s0] =	ssyncset.done @!p0 $0x0  }
0x12f: {  	[sflag:s0] =	ssyncadd.s32 @!p0 s1  }
0x130: {  	[bflag:$0x3] =	sbarrier.arrive $0xFFFF  }
0x131: {  	_ =	shalt  }

</sc_bundles>
